<compile_context>
chip_gen: v7x
topology: tpu7x:2x2x1
jax: 0.10.2.dev20260603
libtpu: 0.0.44.dev20260713+nightly
codegen_flags: <defaults>
</compile_context>

<pallas_src>
import functools

import jax
import jax.numpy as jnp
from jax import lax
from jax.experimental import pallas as pl
from jax.experimental.pallas import tpu as pltpu
from jax.experimental.pallas import tpu_sc as plsc

_B = 1024
_S = 200
_D = 64
_V = 1000000
_NW = 32
_TPW = _B * _S // _NW
_C = 320
_NCH = _TPW // _C
_SPLITS = tuple((o, min(128, _C - o)) for o in range(0, _C, 128))
_TCB = 16384
_LNR = 1600


def _tc_transpose(table_t):
    def body(x_ref, o_ref):
        o_ref[:, pl.ds(0, _D)] = jnp.transpose(x_ref[...], (1, 0))

    n_blocks = (_V + _TCB - 1) // _TCB
    return pl.pallas_call(
        body,
        grid=(n_blocks,),
        in_specs=[pl.BlockSpec((_D, _TCB), lambda i: (0, i))],
        out_specs=pl.BlockSpec((_TCB, 2 * _D), lambda i: (i, 0)),
        out_shape=jax.ShapeDtypeStruct((_V, 2 * _D), jnp.float32),
    )(table_t)


def _sc_gather(idx_hbm, table_hbm, out_hbm, idx_v, emb_v,
               gsem0, gsem1, osem0, osem1):
    wid = lax.axis_index("s") * 2 + lax.axis_index("c")
    tbase = wid * _TPW

    pltpu.sync_copy(idx_hbm.at[pl.ds(tbase, _TPW)], idx_v)

    emb0 = emb_v.at[0]
    emb1 = emb_v.at[1]

    def gather_start(ci, emb_b, gsem):
        for o, n in _SPLITS:
            pltpu.make_async_copy(
                table_hbm.at[idx_v.at[pl.ds(ci * _C + o, n)]],
                emb_b.at[pl.ds(o, n)], gsem).start()

    def gather_wait(emb_b, gsem):
        for o, n in _SPLITS:
            pltpu.make_async_copy(
                table_hbm.at[idx_v.at[pl.ds(o, n)]],
                emb_b.at[pl.ds(o, n)], gsem).wait()

    def out_start(ci, emb_b, osem):
        pltpu.make_async_copy(
            emb_b, out_hbm.at[pl.ds(tbase + ci * _C, _C)], osem).start()

    def out_wait(emb_b, osem):
        pltpu.make_async_copy(
            emb_b, out_hbm.at[pl.ds(0, _C)], osem).wait()

    gather_start(0, emb0, gsem0)

    def body(i, carry):
        c0 = 2 * i
        c1 = c0 + 1

        @pl.when(i >= 1)
        def _():
            out_wait(emb1, osem1)

        gather_start(c1, emb1, gsem1)
        gather_wait(emb0, gsem0)
        out_start(c0, emb0, osem0)
        gather_wait(emb1, gsem1)
        out_wait(emb0, osem0)

        @pl.when(i <= _NCH // 2 - 2)
        def _():
            gather_start(c0 + 2, emb0, gsem0)

        out_start(c1, emb1, osem1)
        return carry

    lax.fori_loop(0, _NCH // 2, body, 0)
    out_wait(emb1, osem1)


def _tc_ln(x_ref, pe_ref, g_ref, b_ref, o_ref):
    x = x_ref[:, pl.ds(0, _D)] + pe_ref[...]
    g = g_ref[...][None, :]
    b = b_ref[...][None, :]
    inv_d = jnp.float32(1.0 / _D)
    m = jnp.sum(x, axis=1, keepdims=True) * inv_d
    ex2 = jnp.sum(x * x, axis=1, keepdims=True) * inv_d
    r = lax.rsqrt(ex2 - m * m + jnp.float32(1e-5))
    o_ref[...] = (x - m) * r * g + b


def kernel(token_ids, table, gamma, beta, pe):
    idx_flat = token_ids.reshape(_B * _S)
    table_pad = _tc_transpose(table.T)

    mesh = plsc.VectorSubcoreMesh(core_axis_name="c", subcore_axis_name="s")
    run = functools.partial(
        pl.kernel,
        mesh=mesh,
        compiler_params=pltpu.CompilerParams(use_tc_tiling_on_sc=False),
        out_type=jax.ShapeDtypeStruct((_B * _S, 2 * _D), jnp.float32),
        scratch_types=[
            pltpu.VMEM((_TPW,), jnp.int32),
            pltpu.VMEM((2, _C, 2 * _D), jnp.float32),
            pltpu.SemaphoreType.DMA,
            pltpu.SemaphoreType.DMA,
            pltpu.SemaphoreType.DMA,
            pltpu.SemaphoreType.DMA,
        ],
    )(_sc_gather)
    gathered = run(idx_flat, table_pad)

    pe_tiled = jnp.tile(pe, (_LNR // _S, 1))
    n_blocks = (_B * _S) // _LNR
    out = pl.pallas_call(
        _tc_ln,
        grid=(n_blocks,),
        in_specs=[
            pl.BlockSpec((_LNR, 2 * _D), lambda i: (i, 0)),
            pl.BlockSpec((_LNR, _D), lambda i: (0, 0)),
            pl.BlockSpec((_D,), lambda i: (0,)),
            pl.BlockSpec((_D,), lambda i: (0,)),
        ],
        out_specs=pl.BlockSpec((_LNR, _D), lambda i: (i, 0)),
        out_shape=jax.ShapeDtypeStruct((_B * _S, _D), jnp.float32),
    )(gathered, pe_tiled, gamma, beta)
    return out.reshape(_B, _S, _D)

# --- scband reference (transcript-rebuilt; emitter-appended) ---
"""Pipeline reference for scband-embedder-60979945668868 (READ-ONLY COPY).

The authoritative reference and input builder live on the scoring server;
editing this copy changes nothing except your own understanding.
"""

import math
import jax, jax.numpy as jnp
import numpy as np

VOCAB = 1000000
D_MODEL = 64
MAX_SEQ_LEN = 200
BATCH = 1024


def make_pe(max_len, d_model):
    pe = np.zeros((max_len, d_model), dtype=np.float32)
    pos = np.arange(0, max_len, dtype=np.float32)[:, None]
    div = np.exp(np.arange(0, d_model, 2, dtype=np.float32) * (-math.log(10000.0) / d_model))
    pe[:, 0::2] = np.sin(pos * div)
    pe[:, 1::2] = np.cos(pos * div)
    return jnp.asarray(pe)  # [max_len, d_model]


def setup_inputs(seed: int = 0) -> dict:
    key = jax.random.key(seed)
    k0, k1 = jax.random.split(key)
    token_ids = jax.random.randint(k0, (BATCH, MAX_SEQ_LEN), 0, VOCAB, dtype=jnp.int32)
    table = jax.random.normal(k1, (VOCAB, D_MODEL), dtype=jnp.float32) * 0.02
    gamma = jnp.ones((D_MODEL,), dtype=jnp.float32)
    beta = jnp.zeros((D_MODEL,), dtype=jnp.float32)
    pe = make_pe(MAX_SEQ_LEN, D_MODEL)
    return {"token_ids": token_ids, "table": table, "gamma": gamma, "beta": beta, "pe": pe}


def reference(token_ids, table, gamma, beta, pe):
    # token embedding lookup (gather)
    emb = jnp.take(table, token_ids, axis=0)  # [B, S, D]
    # sinusoidal positional encoding (buffer, not learned)
    seq_len = emb.shape[1]
    x = emb + pe[None, :seq_len, :]
    # layer norm over last dim (eps matches torch default 1e-5)
    mean = jnp.mean(x, axis=-1, keepdims=True)
    var = jnp.mean((x - mean) ** 2, axis=-1, keepdims=True)
    normed = (x - mean) / jnp.sqrt(var + 1e-5)
    return normed * gamma + beta

if __name__ == "__main__":
    import jax
    _d = setup_inputs()
    print(jax.jit(kernel)(*tuple(_d.values())))

</pallas_src>

<mosaic_0001>
#map = affine_map<(d0, d1) -> (0)>
#map1 = affine_map<(d0, d1) -> (0, 0)>
module attributes {stable_mosaic.version = 14 : i64} {
  func.func @_sc_gather(%arg0: i32, %arg1: i32, %arg2: memref<204800xi32, #tpu.memory_space<hbm>>, %arg3: memref<1000000x128xf32, #tpu.memory_space<hbm>>, %arg4: memref<204800x128xf32, #tpu.memory_space<hbm>>, %arg5: memref<6400xi32, #tpu.memory_space<vmem>>, %arg6: memref<2x320x128xf32, #tpu.memory_space<vmem>>, %arg7: memref<!tpu.dma_semaphore, #tpu.memory_space<semaphore_mem>>, %arg8: memref<!tpu.dma_semaphore, #tpu.memory_space<semaphore_mem>>, %arg9: memref<!tpu.dma_semaphore, #tpu.memory_space<semaphore_mem>>, %arg10: memref<!tpu.dma_semaphore, #tpu.memory_space<semaphore_mem>>) attributes {dimension_semantics = [#tpu.dimension_semantics<core_parallel>, #tpu.dimension_semantics<subcore_parallel>], iteration_bounds = array<i64: 2, 16>, scalar_prefetch = 0 : i64, scratch_operands = 6 : i64, tpu.core_type = #tpu.core_type<sc_vector_subcore>, window_params = [{transform_indices = #map}, {transform_indices = #map1}, {transform_indices = #map1}]} {
    %mul3A = arith.constant 2 : i32
    %mul3A_0 = arith.muli %arg1, %mul3A : i32
    %add3A = arith.addi %mul3A_0, %arg0 : i32
    %mul3A_1 = arith.constant 6400 : i32
    %mul3A_2 = arith.muli %add3A, %mul3A_1 : i32
    "tpu.region"() ({
      %run_scoped3A = tpu.sem_alloc : memref<!tpu.dma_semaphore, #tpu.memory_space<semaphore_mem>>
      %dma_start3A_62 = tpu.memref_slice %arg2[%mul3A_2] : memref<204800xi32, #tpu.memory_space<hbm>> -> memref<6400xi32, #tpu.memory_space<hbm>>
      %dma_start3A_63 = tpu.memref_slice %arg2[%mul3A_2] : memref<204800xi32, #tpu.memory_space<hbm>> -> memref<6400xi32, #tpu.memory_space<hbm>>
      tpu.enqueue_dma source(%dma_start3A_63 : memref<6400xi32, #tpu.memory_space<hbm>>) target(%arg5 : memref<6400xi32, #tpu.memory_space<vmem>>) target_semaphore(%run_scoped3A : memref<!tpu.dma_semaphore, #tpu.memory_space<semaphore_mem>>)
      %dma_wait3A_64 = tpu.memref_slice %arg2[%mul3A_2] : memref<204800xi32, #tpu.memory_space<hbm>> -> memref<6400xi32, #tpu.memory_space<hbm>>
      %dma_wait3A_65 = tpu.memref_slice %arg2[%mul3A_2] : memref<204800xi32, #tpu.memory_space<hbm>> -> memref<6400xi32, #tpu.memory_space<hbm>>
      tpu.wait_dma2 semaphore(%run_scoped3A : memref<!tpu.dma_semaphore, #tpu.memory_space<semaphore_mem>>) src(%dma_wait3A_65 : memref<6400xi32, #tpu.memory_space<hbm>>) dst(%arg5 : memref<6400xi32, #tpu.memory_space<vmem>>)
      tpu.yield
    }) : () -> ()
    %dma_start3A = arith.constant 0 : i32
    %dma_start3A_3 = arith.constant 0 : i32
    %dma_start3A_4 = arith.constant 0 : i32
    %dma_start3A_5 = tpu.memref_slice %arg6[%dma_start3A, %dma_start3A_3, %dma_start3A_4] : memref<2x320x128xf32, #tpu.memory_space<vmem>> -> memref<1x320x128xf32, #tpu.memory_space<vmem>>
    %dma_start3A_6 = tpu.memref_squeeze %dma_start3A_5 : memref<1x320x128xf32, #tpu.memory_space<vmem>> -> memref<320x128xf32, #tpu.memory_space<vmem>>
    %dma_start3A_7 = arith.constant 0 : i32
    %dma_start3A_8 = arith.constant 0 : i32
    %dma_start3A_9 = tpu.memref_slice %dma_start3A_6[%dma_start3A_7, %dma_start3A_8] : memref<320x128xf32, #tpu.memory_space<vmem>> -> memref<128x128xf32, #tpu.memory_space<vmem>>
    %dma_start3A_10 = arith.constant 0 : i32
    %dma_start3A_11 = tpu.memref_slice %arg5[%dma_start3A_10] : memref<6400xi32, #tpu.memory_space<vmem>> -> memref<128xi32, #tpu.memory_space<vmem>>
    %dma_start3A_12 = arith.constant 0 : i32
    %dma_start3A_13 = arith.constant 0 : i32
    %dma_start3A_14 = tpu.memref_slice %arg3[%dma_start3A_12, %dma_start3A_13] : memref<1000000x128xf32, #tpu.memory_space<hbm>> -> memref<1000000x128xf32, #tpu.memory_space<hbm>>
    tpu.enqueue_indirect_dma source(%dma_start3A_14 : memref<1000000x128xf32, #tpu.memory_space<hbm>>) target(%dma_start3A_9 : memref<128x128xf32, #tpu.memory_space<vmem>>) offsets(%dma_start3A_11 : memref<128xi32, #tpu.memory_space<vmem>>) semaphore(%arg7 : memref<!tpu.dma_semaphore, #tpu.memory_space<semaphore_mem>>)
    %dma_start3A_15 = arith.constant 0 : i32
    %dma_start3A_16 = arith.constant 0 : i32
    %dma_start3A_17 = arith.constant 0 : i32
    %dma_start3A_18 = tpu.memref_slice %arg6[%dma_start3A_15, %dma_start3A_16, %dma_start3A_17] : memref<2x320x128xf32, #tpu.memory_space<vmem>> -> memref<1x320x128xf32, #tpu.memory_space<vmem>>
    %dma_start3A_19 = tpu.memref_squeeze %dma_start3A_18 : memref<1x320x128xf32, #tpu.memory_space<vmem>> -> memref<320x128xf32, #tpu.memory_space<vmem>>
    %dma_start3A_20 = arith.constant 128 : i32
    %dma_start3A_21 = arith.constant 0 : i32
    %dma_start3A_22 = tpu.memref_slice %dma_start3A_19[%dma_start3A_20, %dma_start3A_21] : memref<320x128xf32, #tpu.memory_space<vmem>> -> memref<128x128xf32, #tpu.memory_space<vmem>>
    %dma_start3A_23 = arith.constant 128 : i32
    %dma_start3A_24 = tpu.memref_slice %arg5[%dma_start3A_23] : memref<6400xi32, #tpu.memory_space<vmem>> -> memref<128xi32, #tpu.memory_space<vmem>>
    %dma_start3A_25 = arith.constant 0 : i32
    %dma_start3A_26 = arith.constant 0 : i32
    %dma_start3A_27 = tpu.memref_slice %arg3[%dma_start3A_25, %dma_start3A_26] : memref<1000000x128xf32, #tpu.memory_space<hbm>> -> memref<1000000x128xf32, #tpu.memory_space<hbm>>
    tpu.enqueue_indirect_dma source(%dma_start3A_27 : memref<1000000x128xf32, #tpu.memory_space<hbm>>) target(%dma_start3A_22 : memref<128x128xf32, #tpu.memory_space<vmem>>) offsets(%dma_start3A_24 : memref<128xi32, #tpu.memory_space<vmem>>) semaphore(%arg7 : memref<!tpu.dma_semaphore, #tpu.memory_space<semaphore_mem>>)
    %dma_start3A_28 = arith.constant 0 : i32
    %dma_start3A_29 = arith.constant 0 : i32
    %dma_start3A_30 = arith.constant 0 : i32
    %dma_start3A_31 = tpu.memref_slice %arg6[%dma_start3A_28, %dma_start3A_29, %dma_start3A_30] : memref<2x320x128xf32, #tpu.memory_space<vmem>> -> memref<1x320x128xf32, #tpu.memory_space<vmem>>
    %dma_start3A_32 = tpu.memref_squeeze %dma_start3A_31 : memref<1x320x128xf32, #tpu.memory_space<vmem>> -> memref<320x128xf32, #tpu.memory_space<vmem>>
    %dma_start3A_33 = arith.constant 256 : i32
    %dma_start3A_34 = arith.constant 0 : i32
    %dma_start3A_35 = tpu.memref_slice %dma_start3A_32[%dma_start3A_33, %dma_start3A_34] : memref<320x128xf32, #tpu.memory_space<vmem>> -> memref<64x128xf32, #tpu.memory_space<vmem>>
    %dma_start3A_36 = arith.constant 256 : i32
    %dma_start3A_37 = tpu.memref_slice %arg5[%dma_start3A_36] : memref<6400xi32, #tpu.memory_space<vmem>> -> memref<64xi32, #tpu.memory_space<vmem>>
    %dma_start3A_38 = arith.constant 0 : i32
    %dma_start3A_39 = arith.constant 0 : i32
    %dma_start3A_40 = tpu.memref_slice %arg3[%dma_start3A_38, %dma_start3A_39] : memref<1000000x128xf32, #tpu.memory_space<hbm>> -> memref<1000000x128xf32, #tpu.memory_space<hbm>>
    tpu.enqueue_indirect_dma source(%dma_start3A_40 : memref<1000000x128xf32, #tpu.memory_space<hbm>>) target(%dma_start3A_35 : memref<64x128xf32, #tpu.memory_space<vmem>>) offsets(%dma_start3A_37 : memref<64xi32, #tpu.memory_space<vmem>>) semaphore(%arg7 : memref<!tpu.dma_semaphore, #tpu.memory_space<semaphore_mem>>)
    %scan3A = arith.constant 0 : i32
    %scan3A_41 = arith.constant 1 : i32
    %scan3A_42 = arith.constant 0 : i32
    %scan3A_43 = arith.constant 0 : i32
    %scan3A_44 = arith.constant 10 : i32
    %scan3A_45 = arith.addi %scan3A_43, %scan3A_44 : i32
    %scan3A_46 = arith.constant 1 : i32
    scf.for %scan3A_62 = %scan3A_43 to %scan3A_45 step %scan3A_46  : i32 {
      %mul3A_63 = arith.constant 2 : i32
      %mul3A_64 = arith.muli %mul3A_63, %scan3A_62 : i32
      %add3A_65 = arith.constant 1 : i32
      %add3A_66 = arith.addi %mul3A_64, %add3A_65 : i32
      %ge3A = arith.constant 1 : i32
      %ge3A_67 = arith.cmpi sge, %scan3A_62, %ge3A : i32
      %convert_element_type3A = arith.extui %ge3A_67 : i1 to i32
      %cond3A = arith.constant 0 : i32
      %cond3A_68 = arith.cmpi ne, %convert_element_type3A, %cond3A : i32
      scf.if %cond3A_68 {
        %dma_wait3A_234 = arith.constant 0 : i32
        %dma_wait3A_235 = arith.constant 0 : i32
        %dma_wait3A_236 = tpu.memref_slice %arg6[%scan3A_41, %dma_wait3A_234, %dma_wait3A_235] : memref<2x320x128xf32, #tpu.memory_space<vmem>> -> memref<1x320x128xf32, #tpu.memory_space<vmem>>
        %dma_wait3A_237 = tpu.memref_squeeze %dma_wait3A_236 : memref<1x320x128xf32, #tpu.memory_space<vmem>> -> memref<320x128xf32, #tpu.memory_space<vmem>>
        %dma_wait3A_238 = arith.constant 0 : i32
        %dma_wait3A_239 = arith.constant 0 : i32
        %dma_wait3A_240 = tpu.memref_slice %arg4[%dma_wait3A_238, %dma_wait3A_239] : memref<204800x128xf32, #tpu.memory_space<hbm>> -> memref<320x128xf32, #tpu.memory_space<hbm>>
        %dma_wait3A_241 = arith.constant 0 : i32
        %dma_wait3A_242 = arith.constant 0 : i32
        %dma_wait3A_243 = tpu.memref_slice %arg4[%dma_wait3A_241, %dma_wait3A_242] : memref<204800x128xf32, #tpu.memory_space<hbm>> -> memref<320x128xf32, #tpu.memory_space<hbm>>
        %dma_wait3A_244 = arith.constant 0 : i32
        %dma_wait3A_245 = arith.constant 0 : i32
        %dma_wait3A_246 = tpu.memref_slice %arg6[%scan3A_41, %dma_wait3A_244, %dma_wait3A_245] : memref<2x320x128xf32, #tpu.memory_space<vmem>> -> memref<1x320x128xf32, #tpu.memory_space<vmem>>
        %dma_wait3A_247 = tpu.memref_squeeze %dma_wait3A_246 : memref<1x320x128xf32, #tpu.memory_space<vmem>> -> memref<320x128xf32, #tpu.memory_space<vmem>>
        tpu.wait_dma2 semaphore(%arg10 : memref<!tpu.dma_semaphore, #tpu.memory_space<semaphore_mem>>) src(%dma_wait3A_247 : memref<320x128xf32, #tpu.memory_space<vmem>>) dst(%dma_wait3A_243 : memref<320x128xf32, #tpu.memory_space<hbm>>)
      } else {
      }
      %mul3A_69 = arith.constant 320 : i32
      %mul3A_70 = arith.muli %add3A_66, %mul3A_69 : i32
      %add3A_71 = arith.constant 0 : i32
      %add3A_72 = arith.addi %mul3A_70, %add3A_71 : i32
      %dma_start3A_73 = arith.constant 0 : i32
      %dma_start3A_74 = arith.constant 0 : i32
      %dma_start3A_75 = tpu.memref_slice %arg6[%scan3A_41, %dma_start3A_73, %dma_start3A_74] : memref<2x320x128xf32, #tpu.memory_space<vmem>> -> memref<1x320x128xf32, #tpu.memory_space<vmem>>
      %dma_start3A_76 = tpu.memref_squeeze %dma_start3A_75 : memref<1x320x128xf32, #tpu.memory_space<vmem>> -> memref<320x128xf32, #tpu.memory_space<vmem>>
      %dma_start3A_77 = arith.constant 0 : i32
      %dma_start3A_78 = arith.constant 0 : i32
      %dma_start3A_79 = tpu.memref_slice %dma_start3A_76[%dma_start3A_77, %dma_start3A_78] : memref<320x128xf32, #tpu.memory_space<vmem>> -> memref<128x128xf32, #tpu.memory_space<vmem>>
      %dma_start3A_80 = tpu.memref_slice %arg5[%add3A_72] : memref<6400xi32, #tpu.memory_space<vmem>> -> memref<128xi32, #tpu.memory_space<vmem>>
      %dma_start3A_81 = arith.constant 0 : i32
      %dma_start3A_82 = arith.constant 0 : i32
      %dma_start3A_83 = tpu.memref_slice %arg3[%dma_start3A_81, %dma_start3A_82] : memref<1000000x128xf32, #tpu.memory_space<hbm>> -> memref<1000000x128xf32, #tpu.memory_space<hbm>>
      tpu.enqueue_indirect_dma source(%dma_start3A_83 : memref<1000000x128xf32, #tpu.memory_space<hbm>>) target(%dma_start3A_79 : memref<128x128xf32, #tpu.memory_space<vmem>>) offsets(%dma_start3A_80 : memref<128xi32, #tpu.memory_space<vmem>>) semaphore(%arg8 : memref<!tpu.dma_semaphore, #tpu.memory_space<semaphore_mem>>)
      %mul3A_84 = arith.constant 320 : i32
      %mul3A_85 = arith.muli %add3A_66, %mul3A_84 : i32
      %add3A_86 = arith.constant 128 : i32
      %add3A_87 = arith.addi %mul3A_85, %add3A_86 : i32
      %dma_start3A_88 = arith.constant 0 : i32
      %dma_start3A_89 = arith.constant 0 : i32
      %dma_start3A_90 = tpu.memref_slice %arg6[%scan3A_41, %dma_start3A_88, %dma_start3A_89] : memref<2x320x128xf32, #tpu.memory_space<vmem>> -> memref<1x320x128xf32, #tpu.memory_space<vmem>>
      %dma_start3A_91 = tpu.memref_squeeze %dma_start3A_90 : memref<1x320x128xf32, #tpu.memory_space<vmem>> -> memref<320x128xf32, #tpu.memory_space<vmem>>
      %dma_start3A_92 = arith.constant 128 : i32
      %dma_start3A_93 = arith.constant 0 : i32
      %dma_start3A_94 = tpu.memref_slice %dma_start3A_91[%dma_start3A_92, %dma_start3A_93] : memref<320x128xf32, #tpu.memory_space<vmem>> -> memref<128x128xf32, #tpu.memory_space<vmem>>
      %dma_start3A_95 = tpu.memref_slice %arg5[%add3A_87] : memref<6400xi32, #tpu.memory_space<vmem>> -> memref<128xi32, #tpu.memory_space<vmem>>
      %dma_start3A_96 = arith.constant 0 : i32
      %dma_start3A_97 = arith.constant 0 : i32
      %dma_start3A_98 = tpu.memref_slice %arg3[%dma_start3A_96, %dma_start3A_97] : memref<1000000x128xf32, #tpu.memory_space<hbm>> -> memref<1000000x128xf32, #tpu.memory_space<hbm>>
      tpu.enqueue_indirect_dma source(%dma_start3A_98 : memref<1000000x128xf32, #tpu.memory_space<hbm>>) target(%dma_start3A_94 : memref<128x128xf32, #tpu.memory_space<vmem>>) offsets(%dma_start3A_95 : memref<128xi32, #tpu.memory_space<vmem>>) semaphore(%arg8 : memref<!tpu.dma_semaphore, #tpu.memory_space<semaphore_mem>>)
      %mul3A_99 = arith.constant 320 : i32
      %mul3A_100 = arith.muli %add3A_66, %mul3A_99 : i32
      %add3A_101 = arith.constant 256 : i32
      %add3A_102 = arith.addi %mul3A_100, %add3A_101 : i32
      %dma_start3A_103 = arith.constant 0 : i32
      %dma_start3A_104 = arith.constant 0 : i32
      %dma_start3A_105 = tpu.memref_slice %arg6[%scan3A_41, %dma_start3A_103, %dma_start3A_104] : memref<2x320x128xf32, #tpu.memory_space<vmem>> -> memref<1x320x128xf32, #tpu.memory_space<vmem>>
      %dma_start3A_106 = tpu.memref_squeeze %dma_start3A_105 : memref<1x320x128xf32, #tpu.memory_space<vmem>> -> memref<320x128xf32, #tpu.memory_space<vmem>>
      %dma_start3A_107 = arith.constant 256 : i32
      %dma_start3A_108 = arith.constant 0 : i32
      %dma_start3A_109 = tpu.memref_slice %dma_start3A_106[%dma_start3A_107, %dma_start3A_108] : memref<320x128xf32, #tpu.memory_space<vmem>> -> memref<64x128xf32, #tpu.memory_space<vmem>>
      %dma_start3A_110 = tpu.memref_slice %arg5[%add3A_102] : memref<6400xi32, #tpu.memory_space<vmem>> -> memref<64xi32, #tpu.memory_space<vmem>>
      %dma_start3A_111 = arith.constant 0 : i32
      %dma_start3A_112 = arith.constant 0 : i32
      %dma_start3A_113 = tpu.memref_slice %arg3[%dma_start3A_111, %dma_start3A_112] : memref<1000000x128xf32, #tpu.memory_space<hbm>> -> memref<1000000x128xf32, #tpu.memory_space<hbm>>
      tpu.enqueue_indirect_dma source(%dma_start3A_113 : memref<1000000x128xf32, #tpu.memory_space<hbm>>) target(%dma_start3A_109 : memref<64x128xf32, #tpu.memory_space<vmem>>) offsets(%dma_start3A_110 : memref<64xi32, #tpu.memory_space<vmem>>) semaphore(%arg8 : memref<!tpu.dma_semaphore, #tpu.memory_space<semaphore_mem>>)
      %dma_wait3A_114 = arith.constant 0 : i32
      %dma_wait3A_115 = arith.constant 0 : i32
      %dma_wait3A_116 = tpu.memref_slice %arg6[%scan3A_42, %dma_wait3A_114, %dma_wait3A_115] : memref<2x320x128xf32, #tpu.memory_space<vmem>> -> memref<1x320x128xf32, #tpu.memory_space<vmem>>
      %dma_wait3A_117 = tpu.memref_squeeze %dma_wait3A_116 : memref<1x320x128xf32, #tpu.memory_space<vmem>> -> memref<320x128xf32, #tpu.memory_space<vmem>>
      %dma_wait3A_118 = arith.constant 0 : i32
      %dma_wait3A_119 = arith.constant 0 : i32
      %dma_wait3A_120 = tpu.memref_slice %dma_wait3A_117[%dma_wait3A_118, %dma_wait3A_119] : memref<320x128xf32, #tpu.memory_space<vmem>> -> memref<128x128xf32, #tpu.memory_space<vmem>>
      %dma_wait3A_121 = arith.constant 0 : i32
      %dma_wait3A_122 = tpu.memref_slice %arg5[%dma_wait3A_121] : memref<6400xi32, #tpu.memory_space<vmem>> -> memref<128xi32, #tpu.memory_space<vmem>>
      %dma_wait3A_123 = arith.constant 0 : i32
      %dma_wait3A_124 = arith.constant 0 : i32
      %dma_wait3A_125 = tpu.memref_slice %arg3[%dma_wait3A_123, %dma_wait3A_124] : memref<1000000x128xf32, #tpu.memory_space<hbm>> -> memref<1000000x128xf32, #tpu.memory_space<hbm>>
      tpu.wait_indirect_dma semaphore(%arg7 : memref<!tpu.dma_semaphore, #tpu.memory_space<semaphore_mem>>) src(%dma_wait3A_125 : memref<1000000x128xf32, #tpu.memory_space<hbm>>) dst(%dma_wait3A_120 : memref<128x128xf32, #tpu.memory_space<vmem>>)
      %dma_wait3A_126 = arith.constant 0 : i32
      %dma_wait3A_127 = arith.constant 0 : i32
      %dma_wait3A_128 = tpu.memref_slice %arg6[%scan3A_42, %dma_wait3A_126, %dma_wait3A_127] : memref<2x320x128xf32, #tpu.memory_space<vmem>> -> memref<1x320x128xf32, #tpu.memory_space<vmem>>
      %dma_wait3A_129 = tpu.memref_squeeze %dma_wait3A_128 : memref<1x320x128xf32, #tpu.memory_space<vmem>> -> memref<320x128xf32, #tpu.memory_space<vmem>>
      %dma_wait3A_130 = arith.constant 128 : i32
      %dma_wait3A_131 = arith.constant 0 : i32
      %dma_wait3A_132 = tpu.memref_slice %dma_wait3A_129[%dma_wait3A_130, %dma_wait3A_131] : memref<320x128xf32, #tpu.memory_space<vmem>> -> memref<128x128xf32, #tpu.memory_space<vmem>>
      %dma_wait3A_133 = arith.constant 128 : i32
      %dma_wait3A_134 = tpu.memref_slice %arg5[%dma_wait3A_133] : memref<6400xi32, #tpu.memory_space<vmem>> -> memref<128xi32, #tpu.memory_space<vmem>>
      %dma_wait3A_135 = arith.constant 0 : i32
      %dma_wait3A_136 = arith.constant 0 : i32
      %dma_wait3A_137 = tpu.memref_slice %arg3[%dma_wait3A_135, %dma_wait3A_136] : memref<1000000x128xf32, #tpu.memory_space<hbm>> -> memref<1000000x128xf32, #tpu.memory_space<hbm>>
      tpu.wait_indirect_dma semaphore(%arg7 : memref<!tpu.dma_semaphore, #tpu.memory_space<semaphore_mem>>) src(%dma_wait3A_137 : memref<1000000x128xf32, #tpu.memory_space<hbm>>) dst(%dma_wait3A_132 : memref<128x128xf32, #tpu.memory_space<vmem>>)
      %dma_wait3A_138 = arith.constant 0 : i32
      %dma_wait3A_139 = arith.constant 0 : i32
      %dma_wait3A_140 = tpu.memref_slice %arg6[%scan3A_42, %dma_wait3A_138, %dma_wait3A_139] : memref<2x320x128xf32, #tpu.memory_space<vmem>> -> memref<1x320x128xf32, #tpu.memory_space<vmem>>
      %dma_wait3A_141 = tpu.memref_squeeze %dma_wait3A_140 : memref<1x320x128xf32, #tpu.memory_space<vmem>> -> memref<320x128xf32, #tpu.memory_space<vmem>>
      %dma_wait3A_142 = arith.constant 256 : i32
      %dma_wait3A_143 = arith.constant 0 : i32
      %dma_wait3A_144 = tpu.memref_slice %dma_wait3A_141[%dma_wait3A_142, %dma_wait3A_143] : memref<320x128xf32, #tpu.memory_space<vmem>> -> memref<64x128xf32, #tpu.memory_space<vmem>>
      %dma_wait3A_145 = arith.constant 256 : i32
      %dma_wait3A_146 = tpu.memref_slice %arg5[%dma_wait3A_145] : memref<6400xi32, #tpu.memory_space<vmem>> -> memref<64xi32, #tpu.memory_space<vmem>>
      %dma_wait3A_147 = arith.constant 0 : i32
      %dma_wait3A_148 = arith.constant 0 : i32
      %dma_wait3A_149 = tpu.memref_slice %arg3[%dma_wait3A_147, %dma_wait3A_148] : memref<1000000x128xf32, #tpu.memory_space<hbm>> -> memref<1000000x128xf32, #tpu.memory_space<hbm>>
      tpu.wait_indirect_dma semaphore(%arg7 : memref<!tpu.dma_semaphore, #tpu.memory_space<semaphore_mem>>) src(%dma_wait3A_149 : memref<1000000x128xf32, #tpu.memory_space<hbm>>) dst(%dma_wait3A_144 : memref<64x128xf32, #tpu.memory_space<vmem>>)
      %mul3A_150 = arith.constant 320 : i32
      %mul3A_151 = arith.muli %mul3A_64, %mul3A_150 : i32
      %add3A_152 = arith.addi %mul3A_2, %mul3A_151 : i32
      %dma_start3A_153 = arith.constant 0 : i32
      %dma_start3A_154 = arith.constant 0 : i32
      %dma_start3A_155 = tpu.memref_slice %arg6[%scan3A_42, %dma_start3A_153, %dma_start3A_154] : memref<2x320x128xf32, #tpu.memory_space<vmem>> -> memref<1x320x128xf32, #tpu.memory_space<vmem>>
      %dma_start3A_156 = tpu.memref_squeeze %dma_start3A_155 : memref<1x320x128xf32, #tpu.memory_space<vmem>> -> memref<320x128xf32, #tpu.memory_space<vmem>>
      %dma_start3A_157 = arith.constant 0 : i32
      %dma_start3A_158 = tpu.memref_slice %arg4[%add3A_152, %dma_start3A_157] : memref<204800x128xf32, #tpu.memory_space<hbm>> -> memref<320x128xf32, #tpu.memory_space<hbm>>
      %dma_start3A_159 = arith.constant 0 : i32
      %dma_start3A_160 = tpu.memref_slice %arg4[%add3A_152, %dma_start3A_159] : memref<204800x128xf32, #tpu.memory_space<hbm>> -> memref<320x128xf32, #tpu.memory_space<hbm>>
      %dma_start3A_161 = arith.constant 0 : i32
      %dma_start3A_162 = arith.constant 0 : i32
      %dma_start3A_163 = tpu.memref_slice %arg6[%scan3A_42, %dma_start3A_161, %dma_start3A_162] : memref<2x320x128xf32, #tpu.memory_space<vmem>> -> memref<1x320x128xf32, #tpu.memory_space<vmem>>
      %dma_start3A_164 = tpu.memref_squeeze %dma_start3A_163 : memref<1x320x128xf32, #tpu.memory_space<vmem>> -> memref<320x128xf32, #tpu.memory_space<vmem>>
      tpu.enqueue_dma source(%dma_start3A_164 : memref<320x128xf32, #tpu.memory_space<vmem>>) target(%dma_start3A_160 : memref<320x128xf32, #tpu.memory_space<hbm>>) target_semaphore(%arg9 : memref<!tpu.dma_semaphore, #tpu.memory_space<semaphore_mem>>)
      %dma_wait3A_165 = arith.constant 0 : i32
      %dma_wait3A_166 = arith.constant 0 : i32
      %dma_wait3A_167 = tpu.memref_slice %arg6[%scan3A_41, %dma_wait3A_165, %dma_wait3A_166] : memref<2x320x128xf32, #tpu.memory_space<vmem>> -> memref<1x320x128xf32, #tpu.memory_space<vmem>>
      %dma_wait3A_168 = tpu.memref_squeeze %dma_wait3A_167 : memref<1x320x128xf32, #tpu.memory_space<vmem>> -> memref<320x128xf32, #tpu.memory_space<vmem>>
      %dma_wait3A_169 = arith.constant 0 : i32
      %dma_wait3A_170 = arith.constant 0 : i32
      %dma_wait3A_171 = tpu.memref_slice %dma_wait3A_168[%dma_wait3A_169, %dma_wait3A_170] : memref<320x128xf32, #tpu.memory_space<vmem>> -> memref<128x128xf32, #tpu.memory_space<vmem>>
      %dma_wait3A_172 = arith.constant 0 : i32
      %dma_wait3A_173 = tpu.memref_slice %arg5[%dma_wait3A_172] : memref<6400xi32, #tpu.memory_space<vmem>> -> memref<128xi32, #tpu.memory_space<vmem>>
      %dma_wait3A_174 = arith.constant 0 : i32
      %dma_wait3A_175 = arith.constant 0 : i32
      %dma_wait3A_176 = tpu.memref_slice %arg3[%dma_wait3A_174, %dma_wait3A_175] : memref<1000000x128xf32, #tpu.memory_space<hbm>> -> memref<1000000x128xf32, #tpu.memory_space<hbm>>
      tpu.wait_indirect_dma semaphore(%arg8 : memref<!tpu.dma_semaphore, #tpu.memory_space<semaphore_mem>>) src(%dma_wait3A_176 : memref<1000000x128xf32, #tpu.memory_space<hbm>>) dst(%dma_wait3A_171 : memref<128x128xf32, #tpu.memory_space<vmem>>)
      %dma_wait3A_177 = arith.constant 0 : i32
      %dma_wait3A_178 = arith.constant 0 : i32
      %dma_wait3A_179 = tpu.memref_slice %arg6[%scan3A_41, %dma_wait3A_177, %dma_wait3A_178] : memref<2x320x128xf32, #tpu.memory_space<vmem>> -> memref<1x320x128xf32, #tpu.memory_space<vmem>>
      %dma_wait3A_180 = tpu.memref_squeeze %dma_wait3A_179 : memref<1x320x128xf32, #tpu.memory_space<vmem>> -> memref<320x128xf32, #tpu.memory_space<vmem>>
      %dma_wait3A_181 = arith.constant 128 : i32
      %dma_wait3A_182 = arith.constant 0 : i32
      %dma_wait3A_183 = tpu.memref_slice %dma_wait3A_180[%dma_wait3A_181, %dma_wait3A_182] : memref<320x128xf32, #tpu.memory_space<vmem>> -> memref<128x128xf32, #tpu.memory_space<vmem>>
      %dma_wait3A_184 = arith.constant 128 : i32
      %dma_wait3A_185 = tpu.memref_slice %arg5[%dma_wait3A_184] : memref<6400xi32, #tpu.memory_space<vmem>> -> memref<128xi32, #tpu.memory_space<vmem>>
      %dma_wait3A_186 = arith.constant 0 : i32
      %dma_wait3A_187 = arith.constant 0 : i32
      %dma_wait3A_188 = tpu.memref_slice %arg3[%dma_wait3A_186, %dma_wait3A_187] : memref<1000000x128xf32, #tpu.memory_space<hbm>> -> memref<1000000x128xf32, #tpu.memory_space<hbm>>
      tpu.wait_indirect_dma semaphore(%arg8 : memref<!tpu.dma_semaphore, #tpu.memory_space<semaphore_mem>>) src(%dma_wait3A_188 : memref<1000000x128xf32, #tpu.memory_space<hbm>>) dst(%dma_wait3A_183 : memref<128x128xf32, #tpu.memory_space<vmem>>)
      %dma_wait3A_189 = arith.constant 0 : i32
      %dma_wait3A_190 = arith.constant 0 : i32
      %dma_wait3A_191 = tpu.memref_slice %arg6[%scan3A_41, %dma_wait3A_189, %dma_wait3A_190] : memref<2x320x128xf32, #tpu.memory_space<vmem>> -> memref<1x320x128xf32, #tpu.memory_space<vmem>>
      %dma_wait3A_192 = tpu.memref_squeeze %dma_wait3A_191 : memref<1x320x128xf32, #tpu.memory_space<vmem>> -> memref<320x128xf32, #tpu.memory_space<vmem>>
      %dma_wait3A_193 = arith.constant 256 : i32
      %dma_wait3A_194 = arith.constant 0 : i32
      %dma_wait3A_195 = tpu.memref_slice %dma_wait3A_192[%dma_wait3A_193, %dma_wait3A_194] : memref<320x128xf32, #tpu.memory_space<vmem>> -> memref<64x128xf32, #tpu.memory_space<vmem>>
      %dma_wait3A_196 = arith.constant 256 : i32
      %dma_wait3A_197 = tpu.memref_slice %arg5[%dma_wait3A_196] : memref<6400xi32, #tpu.memory_space<vmem>> -> memref<64xi32, #tpu.memory_space<vmem>>
      %dma_wait3A_198 = arith.constant 0 : i32
      %dma_wait3A_199 = arith.constant 0 : i32
      %dma_wait3A_200 = tpu.memref_slice %arg3[%dma_wait3A_198, %dma_wait3A_199] : memref<1000000x128xf32, #tpu.memory_space<hbm>> -> memref<1000000x128xf32, #tpu.memory_space<hbm>>
      tpu.wait_indirect_dma semaphore(%arg8 : memref<!tpu.dma_semaphore, #tpu.memory_space<semaphore_mem>>) src(%dma_wait3A_200 : memref<1000000x128xf32, #tpu.memory_space<hbm>>) dst(%dma_wait3A_195 : memref<64x128xf32, #tpu.memory_space<vmem>>)
      %dma_wait3A_201 = arith.constant 0 : i32
      %dma_wait3A_202 = arith.constant 0 : i32
      %dma_wait3A_203 = tpu.memref_slice %arg6[%scan3A_42, %dma_wait3A_201, %dma_wait3A_202] : memref<2x320x128xf32, #tpu.memory_space<vmem>> -> memref<1x320x128xf32, #tpu.memory_space<vmem>>
      %dma_wait3A_204 = tpu.memref_squeeze %dma_wait3A_203 : memref<1x320x128xf32, #tpu.memory_space<vmem>> -> memref<320x128xf32, #tpu.memory_space<vmem>>
      %dma_wait3A_205 = arith.constant 0 : i32
      %dma_wait3A_206 = arith.constant 0 : i32
      %dma_wait3A_207 = tpu.memref_slice %arg4[%dma_wait3A_205, %dma_wait3A_206] : memref<204800x128xf32, #tpu.memory_space<hbm>> -> memref<320x128xf32, #tpu.memory_space<hbm>>
      %dma_wait3A_208 = arith.constant 0 : i32
      %dma_wait3A_209 = arith.constant 0 : i32
      %dma_wait3A_210 = tpu.memref_slice %arg4[%dma_wait3A_208, %dma_wait3A_209] : memref<204800x128xf32, #tpu.memory_space<hbm>> -> memref<320x128xf32, #tpu.memory_space<hbm>>
      %dma_wait3A_211 = arith.constant 0 : i32
      %dma_wait3A_212 = arith.constant 0 : i32
      %dma_wait3A_213 = tpu.memref_slice %arg6[%scan3A_42, %dma_wait3A_211, %dma_wait3A_212] : memref<2x320x128xf32, #tpu.memory_space<vmem>> -> memref<1x320x128xf32, #tpu.memory_space<vmem>>
      %dma_wait3A_214 = tpu.memref_squeeze %dma_wait3A_213 : memref<1x320x128xf32, #tpu.memory_space<vmem>> -> memref<320x128xf32, #tpu.memory_space<vmem>>
      tpu.wait_dma2 semaphore(%arg9 : memref<!tpu.dma_semaphore, #tpu.memory_space<semaphore_mem>>) src(%dma_wait3A_214 : memref<320x128xf32, #tpu.memory_space<vmem>>) dst(%dma_wait3A_210 : memref<320x128xf32, #tpu.memory_space<hbm>>)
      %le3A = arith.constant 8 : i32
      %le3A_215 = arith.cmpi sle, %scan3A_62, %le3A : i32
      %convert_element_type3A_216 = arith.extui %le3A_215 : i1 to i32
      %cond3A_217 = arith.constant 0 : i32
      %cond3A_218 = arith.cmpi ne, %convert_element_type3A_216, %cond3A_217 : i32
      scf.if %cond3A_218 {
        %add3A_234 = arith.constant 2 : i32
        %add3A_235 = arith.addi %mul3A_64, %add3A_234 : i32
        %mul3A_236 = arith.constant 320 : i32
        %mul3A_237 = arith.muli %add3A_235, %mul3A_236 : i32
        %add3A_238 = arith.constant 0 : i32
        %add3A_239 = arith.addi %mul3A_237, %add3A_238 : i32
        %dma_start3A_240 = arith.constant 0 : i32
        %dma_start3A_241 = arith.constant 0 : i32
        %dma_start3A_242 = tpu.memref_slice %arg6[%scan3A_42, %dma_start3A_240, %dma_start3A_241] : memref<2x320x128xf32, #tpu.memory_space<vmem>> -> memref<1x320x128xf32, #tpu.memory_space<vmem>>
        %dma_start3A_243 = tpu.memref_squeeze %dma_start3A_242 : memref<1x320x128xf32, #tpu.memory_space<vmem>> -> memref<320x128xf32, #tpu.memory_space<vmem>>
        %dma_start3A_244 = arith.constant 0 : i32
        %dma_start3A_245 = arith.constant 0 : i32
        %dma_start3A_246 = tpu.memref_slice %dma_start3A_243[%dma_start3A_244, %dma_start3A_245] : memref<320x128xf32, #tpu.memory_space<vmem>> -> memref<128x128xf32, #tpu.memory_space<vmem>>
        %dma_start3A_247 = tpu.memref_slice %arg5[%add3A_239] : memref<6400xi32, #tpu.memory_space<vmem>> -> memref<128xi32, #tpu.memory_space<vmem>>
        %dma_start3A_248 = arith.constant 0 : i32
        %dma_start3A_249 = arith.constant 0 : i32
        %dma_start3A_250 = tpu.memref_slice %arg3[%dma_start3A_248, %dma_start3A_249] : memref<1000000x128xf32, #tpu.memory_space<hbm>> -> memref<1000000x128xf32, #tpu.memory_space<hbm>>
        tpu.enqueue_indirect_dma source(%dma_start3A_250 : memref<1000000x128xf32, #tpu.memory_space<hbm>>) target(%dma_start3A_246 : memref<128x128xf32, #tpu.memory_space<vmem>>) offsets(%dma_start3A_247 : memref<128xi32, #tpu.memory_space<vmem>>) semaphore(%arg7 : memref<!tpu.dma_semaphore, #tpu.memory_space<semaphore_mem>>)
        %mul3A_251 = arith.constant 320 : i32
        %mul3A_252 = arith.muli %add3A_235, %mul3A_251 : i32
        %add3A_253 = arith.constant 128 : i32
        %add3A_254 = arith.addi %mul3A_252, %add3A_253 : i32
        %dma_start3A_255 = arith.constant 0 : i32
        %dma_start3A_256 = arith.constant 0 : i32
        %dma_start3A_257 = tpu.memref_slice %arg6[%scan3A_42, %dma_start3A_255, %dma_start3A_256] : memref<2x320x128xf32, #tpu.memory_space<vmem>> -> memref<1x320x128xf32, #tpu.memory_space<vmem>>
        %dma_start3A_258 = tpu.memref_squeeze %dma_start3A_257 : memref<1x320x128xf32, #tpu.memory_space<vmem>> -> memref<320x128xf32, #tpu.memory_space<vmem>>
        %dma_start3A_259 = arith.constant 128 : i32
        %dma_start3A_260 = arith.constant 0 : i32
        %dma_start3A_261 = tpu.memref_slice %dma_start3A_258[%dma_start3A_259, %dma_start3A_260] : memref<320x128xf32, #tpu.memory_space<vmem>> -> memref<128x128xf32, #tpu.memory_space<vmem>>
        %dma_start3A_262 = tpu.memref_slice %arg5[%add3A_254] : memref<6400xi32, #tpu.memory_space<vmem>> -> memref<128xi32, #tpu.memory_space<vmem>>
        %dma_start3A_263 = arith.constant 0 : i32
        %dma_start3A_264 = arith.constant 0 : i32
        %dma_start3A_265 = tpu.memref_slice %arg3[%dma_start3A_263, %dma_start3A_264] : memref<1000000x128xf32, #tpu.memory_space<hbm>> -> memref<1000000x128xf32, #tpu.memory_space<hbm>>
        tpu.enqueue_indirect_dma source(%dma_start3A_265 : memref<1000000x128xf32, #tpu.memory_space<hbm>>) target(%dma_start3A_261 : memref<128x128xf32, #tpu.memory_space<vmem>>) offsets(%dma_start3A_262 : memref<128xi32, #tpu.memory_space<vmem>>) semaphore(%arg7 : memref<!tpu.dma_semaphore, #tpu.memory_space<semaphore_mem>>)
        %mul3A_266 = arith.constant 320 : i32
        %mul3A_267 = arith.muli %add3A_235, %mul3A_266 : i32
        %add3A_268 = arith.constant 256 : i32
        %add3A_269 = arith.addi %mul3A_267, %add3A_268 : i32
        %dma_start3A_270 = arith.constant 0 : i32
        %dma_start3A_271 = arith.constant 0 : i32
        %dma_start3A_272 = tpu.memref_slice %arg6[%scan3A_42, %dma_start3A_270, %dma_start3A_271] : memref<2x320x128xf32, #tpu.memory_space<vmem>> -> memref<1x320x128xf32, #tpu.memory_space<vmem>>
        %dma_start3A_273 = tpu.memref_squeeze %dma_start3A_272 : memref<1x320x128xf32, #tpu.memory_space<vmem>> -> memref<320x128xf32, #tpu.memory_space<vmem>>
        %dma_start3A_274 = arith.constant 256 : i32
        %dma_start3A_275 = arith.constant 0 : i32
        %dma_start3A_276 = tpu.memref_slice %dma_start3A_273[%dma_start3A_274, %dma_start3A_275] : memref<320x128xf32, #tpu.memory_space<vmem>> -> memref<64x128xf32, #tpu.memory_space<vmem>>
        %dma_start3A_277 = tpu.memref_slice %arg5[%add3A_269] : memref<6400xi32, #tpu.memory_space<vmem>> -> memref<64xi32, #tpu.memory_space<vmem>>
        %dma_start3A_278 = arith.constant 0 : i32
        %dma_start3A_279 = arith.constant 0 : i32
        %dma_start3A_280 = tpu.memref_slice %arg3[%dma_start3A_278, %dma_start3A_279] : memref<1000000x128xf32, #tpu.memory_space<hbm>> -> memref<1000000x128xf32, #tpu.memory_space<hbm>>
        tpu.enqueue_indirect_dma source(%dma_start3A_280 : memref<1000000x128xf32, #tpu.memory_space<hbm>>) target(%dma_start3A_276 : memref<64x128xf32, #tpu.memory_space<vmem>>) offsets(%dma_start3A_277 : memref<64xi32, #tpu.memory_space<vmem>>) semaphore(%arg7 : memref<!tpu.dma_semaphore, #tpu.memory_space<semaphore_mem>>)
      } else {
      }
      %mul3A_219 = arith.constant 320 : i32
      %mul3A_220 = arith.muli %add3A_66, %mul3A_219 : i32
      %add3A_221 = arith.addi %mul3A_2, %mul3A_220 : i32
      %dma_start3A_222 = arith.constant 0 : i32
      %dma_start3A_223 = arith.constant 0 : i32
      %dma_start3A_224 = tpu.memref_slice %arg6[%scan3A_41, %dma_start3A_222, %dma_start3A_223] : memref<2x320x128xf32, #tpu.memory_space<vmem>> -> memref<1x320x128xf32, #tpu.memory_space<vmem>>
      %dma_start3A_225 = tpu.memref_squeeze %dma_start3A_224 : memref<1x320x128xf32, #tpu.memory_space<vmem>> -> memref<320x128xf32, #tpu.memory_space<vmem>>
      %dma_start3A_226 = arith.constant 0 : i32
      %dma_start3A_227 = tpu.memref_slice %arg4[%add3A_221, %dma_start3A_226] : memref<204800x128xf32, #tpu.memory_space<hbm>> -> memref<320x128xf32, #tpu.memory_space<hbm>>
      %dma_start3A_228 = arith.constant 0 : i32
      %dma_start3A_229 = tpu.memref_slice %arg4[%add3A_221, %dma_start3A_228] : memref<204800x128xf32, #tpu.memory_space<hbm>> -> memref<320x128xf32, #tpu.memory_space<hbm>>
      %dma_start3A_230 = arith.constant 0 : i32
      %dma_start3A_231 = arith.constant 0 : i32
      %dma_start3A_232 = tpu.memref_slice %arg6[%scan3A_41, %dma_start3A_230, %dma_start3A_231] : memref<2x320x128xf32, #tpu.memory_space<vmem>> -> memref<1x320x128xf32, #tpu.memory_space<vmem>>
      %dma_start3A_233 = tpu.memref_squeeze %dma_start3A_232 : memref<1x320x128xf32, #tpu.memory_space<vmem>> -> memref<320x128xf32, #tpu.memory_space<vmem>>
      tpu.enqueue_dma source(%dma_start3A_233 : memref<320x128xf32, #tpu.memory_space<vmem>>) target(%dma_start3A_229 : memref<320x128xf32, #tpu.memory_space<hbm>>) target_semaphore(%arg10 : memref<!tpu.dma_semaphore, #tpu.memory_space<semaphore_mem>>)
    }
    %scan3A_47 = arith.constant 10 : i32
    %dma_wait3A = arith.constant 1 : i32
    %dma_wait3A_48 = arith.constant 0 : i32
    %dma_wait3A_49 = arith.constant 0 : i32
    %dma_wait3A_50 = tpu.memref_slice %arg6[%dma_wait3A, %dma_wait3A_48, %dma_wait3A_49] : memref<2x320x128xf32, #tpu.memory_space<vmem>> -> memref<1x320x128xf32, #tpu.memory_space<vmem>>
    %dma_wait3A_51 = tpu.memref_squeeze %dma_wait3A_50 : memref<1x320x128xf32, #tpu.memory_space<vmem>> -> memref<320x128xf32, #tpu.memory_space<vmem>>
    %dma_wait3A_52 = arith.constant 0 : i32
    %dma_wait3A_53 = arith.constant 0 : i32
    %dma_wait3A_54 = tpu.memref_slice %arg4[%dma_wait3A_52, %dma_wait3A_53] : memref<204800x128xf32, #tpu.memory_space<hbm>> -> memref<320x128xf32, #tpu.memory_space<hbm>>
    %dma_wait3A_55 = arith.constant 0 : i32
    %dma_wait3A_56 = arith.constant 0 : i32
    %dma_wait3A_57 = tpu.memref_slice %arg4[%dma_wait3A_55, %dma_wait3A_56] : memref<204800x128xf32, #tpu.memory_space<hbm>> -> memref<320x128xf32, #tpu.memory_space<hbm>>
    %dma_wait3A_58 = arith.constant 0 : i32
    %dma_wait3A_59 = arith.constant 0 : i32
    %dma_wait3A_60 = tpu.memref_slice %arg6[%dma_wait3A, %dma_wait3A_58, %dma_wait3A_59] : memref<2x320x128xf32, #tpu.memory_space<vmem>> -> memref<1x320x128xf32, #tpu.memory_space<vmem>>
    %dma_wait3A_61 = tpu.memref_squeeze %dma_wait3A_60 : memref<1x320x128xf32, #tpu.memory_space<vmem>> -> memref<320x128xf32, #tpu.memory_space<vmem>>
    tpu.wait_dma2 semaphore(%arg10 : memref<!tpu.dma_semaphore, #tpu.memory_space<semaphore_mem>>) src(%dma_wait3A_61 : memref<320x128xf32, #tpu.memory_space<vmem>>) dst(%dma_wait3A_57 : memref<320x128xf32, #tpu.memory_space<hbm>>)
    return
  }
}

module attributes {stable_mosaic.version = 14 : i64} {
  func.func @body(%arg0: i32, %arg1: memref<64x16384xf32, #tpu.memory_space<vmem>>, %arg2: memref<16384x128xf32, #tpu.memory_space<vmem>>) attributes {dimension_semantics = [#tpu.dimension_semantics<arbitrary>], iteration_bounds = array<i64: 62>, scalar_prefetch = 0 : i64, scratch_operands = 0 : i64, tpu.core_type = #tpu.core_type<tc>, window_params = [{transform_indices = @transform_0, window_bounds = array<i64: 64, 16384>}, {transform_indices = @transform_1, window_bounds = array<i64: 16384, 128>}]} {
    %get3A = arith.constant 0 : index
    %get3A_0 = arith.constant 0 : index
    %get3A_1 = vector.load %arg1[%get3A, %get3A_0] : memref<64x16384xf32, #tpu.memory_space<vmem>>, vector<64x16384xf32>
    %transpose3A = tpu.transpose %get3A_1, [1, 0] : vector<64x16384xf32> -> vector<16384x64xf32>
    %swap3A = arith.constant 0 : index
    %swap3A_2 = arith.constant 0 : index
    %swap3A_3 = vector.load %arg2[%swap3A, %swap3A_2] : memref<16384x128xf32, #tpu.memory_space<vmem>>, vector<16384x64xf32>
    tpu.vector_store %arg2[%swap3A, %swap3A_2], %transpose3A {strides = array<i32>} : memref<16384x128xf32, #tpu.memory_space<vmem>>, vector<16384x64xf32>,
    return
  }
  func.func @transform_0(%arg0: i32) -> (i32, i32) {
    %c0_i32 = arith.constant 0 : i32
    %c0_i32_0 = arith.constant 0 : i32
    return %c0_i32, %arg0 : i32, i32
  }
  func.func @transform_1(%arg0: i32) -> (i32, i32) {
    %c0_i32 = arith.constant 0 : i32
    %c0_i32_0 = arith.constant 0 : i32
    return %arg0, %c0_i32 : i32, i32
  }
}

module attributes {stable_mosaic.version = 14 : i64} {
  func.func @_tc_ln(%arg0: i32, %arg1: memref<1600x128xf32, #tpu.memory_space<vmem>>, %arg2: memref<1600x64xf32, #tpu.memory_space<vmem>>, %arg3: memref<64xf32, #tpu.memory_space<vmem>>, %arg4: memref<64xf32, #tpu.memory_space<vmem>>, %arg5: memref<1600x64xf32, #tpu.memory_space<vmem>>) attributes {dimension_semantics = [#tpu.dimension_semantics<arbitrary>], iteration_bounds = array<i64: 128>, scalar_prefetch = 0 : i64, scratch_operands = 0 : i64, tpu.core_type = #tpu.core_type<tc>, window_params = [{transform_indices = @transform_0, window_bounds = array<i64: 1600, 128>}, {pipeline_mode = #tpu.pipeline_mode<synchronous>, transform_indices = @transform_1, window_bounds = array<i64: 1600, 64>}, {pipeline_mode = #tpu.pipeline_mode<synchronous>, transform_indices = @transform_2, window_bounds = array<i64: 64>}, {pipeline_mode = #tpu.pipeline_mode<synchronous>, transform_indices = @transform_3, window_bounds = array<i64: 64>}, {transform_indices = @transform_4, window_bounds = array<i64: 1600, 64>}]} {
    %get3A = arith.constant 0 : index
    %get3A_0 = arith.constant 0 : index
    %get3A_1 = vector.load %arg1[%get3A, %get3A_0] : memref<1600x128xf32, #tpu.memory_space<vmem>>, vector<1600x64xf32>
    %get3A_2 = arith.constant 0 : index
    %get3A_3 = arith.constant 0 : index
    %get3A_4 = vector.load %arg2[%get3A_2, %get3A_3] : memref<1600x64xf32, #tpu.memory_space<vmem>>, vector<1600x64xf32>
    %add3A = arith.addf %get3A_1, %get3A_4 : vector<1600x64xf32>
    %get3A_5 = arith.constant 0 : index
    %get3A_6 = vector.load %arg3[%get3A_5] : memref<64xf32, #tpu.memory_space<vmem>>, vector<64xf32>
    %broadcast_in_dim3A = vector.shape_cast %get3A_6 : vector<64xf32> to vector<1x64xf32>
    %get3A_7 = arith.constant 0 : index
    %get3A_8 = vector.load %arg4[%get3A_7] : memref<64xf32, #tpu.memory_space<vmem>>, vector<64xf32>
    %broadcast_in_dim3A_9 = vector.shape_cast %get3A_8 : vector<64xf32> to vector<1x64xf32>
    %reduce_sum3A = arith.constant dense<0.000000e+00> : vector<1600xf32>
    %reduce_sum3A_10 = vector.multi_reduction <add>, %add3A, %reduce_sum3A [1] : vector<1600x64xf32> to vector<1600xf32>
    %broadcast_in_dim3A_11 = vector.shape_cast %reduce_sum3A_10 : vector<1600xf32> to vector<1600x1xf32>
    %mul3A = arith.constant 1.562500e-02 : f32
    %mul3A_12 = vector.broadcast %mul3A : f32 to vector<1600x1xf32>
    %mul3A_13 = arith.mulf %broadcast_in_dim3A_11, %mul3A_12 : vector<1600x1xf32>
    %mul3A_14 = arith.mulf %add3A, %add3A : vector<1600x64xf32>
    %reduce_sum3A_15 = arith.constant dense<0.000000e+00> : vector<1600xf32>
    %reduce_sum3A_16 = vector.multi_reduction <add>, %mul3A_14, %reduce_sum3A_15 [1] : vector<1600x64xf32> to vector<1600xf32>
    %broadcast_in_dim3A_17 = vector.shape_cast %reduce_sum3A_16 : vector<1600xf32> to vector<1600x1xf32>
    %mul3A_18 = arith.constant 1.562500e-02 : f32
    %mul3A_19 = vector.broadcast %mul3A_18 : f32 to vector<1600x1xf32>
    %mul3A_20 = arith.mulf %broadcast_in_dim3A_17, %mul3A_19 : vector<1600x1xf32>
    %mul3A_21 = arith.mulf %mul3A_13, %mul3A_13 : vector<1600x1xf32>
    %sub3A = arith.subf %mul3A_20, %mul3A_21 : vector<1600x1xf32>
    %add3A_22 = arith.constant 9.99999974E-6 : f32
    %add3A_23 = vector.broadcast %add3A_22 : f32 to vector<1600x1xf32>
    %add3A_24 = arith.addf %sub3A, %add3A_23 : vector<1600x1xf32>
    %rsqrt3A = math.rsqrt %add3A_24 : vector<1600x1xf32>
    %sub3A_25 = vector.broadcast %mul3A_13 : vector<1600x1xf32> to vector<1600x64xf32>
    %sub3A_26 = arith.subf %add3A, %sub3A_25 : vector<1600x64xf32>
    %mul3A_27 = vector.broadcast %rsqrt3A : vector<1600x1xf32> to vector<1600x64xf32>
    %mul3A_28 = arith.mulf %sub3A_26, %mul3A_27 : vector<1600x64xf32>
    %mul3A_29 = vector.broadcast %broadcast_in_dim3A : vector<1x64xf32> to vector<1600x64xf32>
    %mul3A_30 = arith.mulf %mul3A_28, %mul3A_29 : vector<1600x64xf32>
    %add3A_31 = vector.broadcast %broadcast_in_dim3A_9 : vector<1x64xf32> to vector<1600x64xf32>
    %add3A_32 = arith.addf %mul3A_30, %add3A_31 : vector<1600x64xf32>
    %swap3A = arith.constant 0 : index
    %swap3A_33 = arith.constant 0 : index
    %swap3A_34 = vector.load %arg5[%swap3A, %swap3A_33] : memref<1600x64xf32, #tpu.memory_space<vmem>>, vector<1600x64xf32>
    tpu.vector_store %arg5[%swap3A, %swap3A_33], %add3A_32 {strides = array<i32>} : memref<1600x64xf32, #tpu.memory_space<vmem>>, vector<1600x64xf32>,
    return
  }
  func.func @transform_0(%arg0: i32) -> (i32, i32) {
    %c0_i32 = arith.constant 0 : i32
    %c0_i32_0 = arith.constant 0 : i32
    return %arg0, %c0_i32 : i32, i32
  }
  func.func @transform_1(%arg0: i32) -> (i32, i32) {
    %c0_i32 = arith.constant 0 : i32
    %c0_i32_0 = arith.constant 0 : i32
    %c0_i32_1 = arith.constant 0 : i32
    return %c0_i32, %c0_i32_0 : i32, i32
  }
  func.func @transform_2(%arg0: i32) -> i32 {
    %c0_i32 = arith.constant 0 : i32
    %c0_i32_0 = arith.constant 0 : i32
    return %c0_i32 : i32
  }
  func.func @transform_3(%arg0: i32) -> i32 {
    %c0_i32 = arith.constant 0 : i32
    %c0_i32_0 = arith.constant 0 : i32
    return %c0_i32 : i32
  }
  func.func @transform_4(%arg0: i32) -> (i32, i32) {
    %c0_i32 = arith.constant 0 : i32
    %c0_i32_0 = arith.constant 0 : i32
    return %arg0, %c0_i32 : i32, i32
  }
}

</mosaic_0001>

<sc_bundles>
// kernel: kernel.5.cloned.1.call-start
scs
__scs_entry_jumppad:
0x0: {  	(pc) =	sbr.rel $0x88, $3  }
0x1: {  	(tag) =	ssettag $0x0;
	lr =	simm.s32 $0x1  }
0x2: {  	[smem:$0x3F9C] =	sst lr;
	_ =	strace $0xD0000000  }
0x3: {  	_ = 	snop  }
0x4: {  	_ = 	snop  }
0x5: {  	_ = 	snop  }
0x6: {  	_ = 	snop  }
0x7: {  	_ = 	snop  }
__scs_overlays_trampoline_lowered:
0x8: {  	[smem:$0x3FAB] =	sst s0  }
0x9: {  	[smem:$0x3FAC] =	sst s1  }
0xa: {  	[smem:$0x3FAD] =	sst s2  }
0xb: {  	[smem:$0x3FAE] =	sst s3  }
0xc: {  	[smem:$0x3FAF] =	sst s4  }
0xd: {  	[smem:$0x3FB0] =	sst s5  }
0xe: {  	[smem:$0x3FB1] =	sst s6  }
0xf: {  	[smem:$0x3FB2] =	sst s7  }
0x10: {  	[smem:$0x3FB3] =	sst s8  }
0x11: {  	[smem:$0x3FB4] =	sst s9;
	s0 =	simm.s32 @!p0 $0x0  }
0x12: {  	s1 =	sld [smem:$0x3F9A];
	s0 =	simm.s32 @p0 $0x1  }
0x13: {  	[smem:$0x3FB5] =	sst s0;
	s0 =	simm.s32 @!p1 $0x0  }
0x14: {  	s2 =	sld [smem:$0x3F99];
	s0 =	simm.s32 @p1 $0x1  }
0x15: {  	[smem:$0x3FB6] =	sst s0;
	s0 =	simm.s32 @!p2 $0x0  }
0x16: {  	s3 =	sld [smem:$0x3FDB];
	s0 =	simm.s32 @p2 $0x1  }
0x17: {  	s4 =	simm.s32 $0x1BF5;
	[smem:$0x3FB8] =	sst s0  }
0x18: {  	s0 =	sld [smem:$0x3F9B];
	_ =	swait.ge [sflag:s4], $0x0  }
0x19: {  	s7 =	sld [smem:$0x3F9C]  }
0x1a: {  	s8 =	sadd.s32 $0xFFFFE003, lr  }
0x1b: {  	s9 =	sadd.s32 $0xFFFFFEF7, lr;
	s5 =	simm.s32 $0xFFFFFFFF;
	p2 =	slt.u32 s8, $0xFFFFF086  }
0x1c: {  	p1 =	slt.u32 s9, $0xF7A;
	s5 =	simm.s32 @!p2 $0x0  }
0x1d: {  	s5 =	simm.s32 @p1 $0x1;
	p0 =	seq.s32 s7, s2  }
0x1e: {  	s7 =	smul.u32 @!p0 $0xF7A, s2;
	p2 =	seq.s32 @!p0 s5, $0x0  }
0x1f: {  	s9 =	smul.u32 $0xF7A, s1;
	s8 =	simm.s32 @!p0 $0x1BF5;
	p2 =	por !p2, p0  }
0x20: {  	[sflag:s8] =	ssyncset.s32 @!p0 $0xFFFFF086;
	s6 =	sadd.s32 @!p0 s3, s7;
	s7 =	simm.s32 @!p0 $0x108  }
0x21: {  	s3 =	sadd.s32 s3, s9;
	s6 =	sadd.s32 @!p0 $0x88, s6;
	s7 =	simm.s32 @p2 $0x1082  }
0x22: {  	[simem:s7], [sflag:s8] =	dma.local @!p0 [hbm:s6], $0xF7A  }
0x23: {  	s9 =	sor.u32 $0xD0000000, s2;
	s6 =	simm.s32 $0x108;
	_ =	swait.ge @!p0 [sflag:s8], $0x0  }
0x24: {  	s3 =	sadd.s32 $0x88, s3;
	s6 =	simm.s32 @!p1 $0x1082;
	[sflag:s4] =	ssyncset.s32 $0xFFFFF086  }
0x25: {  	[simem:s6], [sflag:s4] =	dma.local [hbm:s3], $0xF7A  }
0x26: {  	[smem:$0x3F9C] =	sst s1;
	(tag) =	ssettag s2;
	_ =	strace s9  }
0x27: {  	s1 =	sld [smem:$0x3FAC]  }
0x28: {  	s2 =	sld [smem:$0x3FAD]  }
0x29: {  	s4 =	sld [smem:$0x3FAF]  }
0x2a: {  	p0 =	seq.s32 s5, $0x0;
	s5 =	sld [smem:$0x3FB0]  }
0x2b: {  	s6 =	sld [smem:$0x3FB1]  }
0x2c: {  	s7 =	sld [smem:$0x3FB2]  }
0x2d: {  	s3 =	simm.s32 $0x108;
	s8 =	sld [smem:$0x3FB3]  }
0x2e: {  	s3 =	simm.s32 @!p0 $0x1082;
	s9 =	sld [smem:$0x3FB4]  }
0x2f: {  	lr =	sadd.s32 s0, s3;
	s0 =	sld [smem:$0x3FAB]  }
0x30: {  	s3 =	sld [smem:$0x3FAE]  }
0x31: {  	[smem:$0x3FB7] =	sst s10  }
0x32: {  	s10 =	sld [smem:$0x3FB5];
	_ =	sdelay $0x3  }
0x33: {  	p0 =	seq.s32 s10, $0x1;
	s10 =	sld [smem:$0x3FB7];
	_ =	sdelay $0x3  }
0x34: {  	[smem:$0x3FB7] =	sst s10  }
0x35: {  	s10 =	sld [smem:$0x3FB6];
	_ =	sdelay $0x3  }
0x36: {  	p1 =	seq.s32 s10, $0x1;
	s10 =	sld [smem:$0x3FB7];
	_ =	sdelay $0x3  }
0x37: {  	[smem:$0x3FB7] =	sst s10  }
0x38: {  	s10 =	sld [smem:$0x3FB8]  }
0x39: {  	_ = 	snop;
	(pc) =	sbr.ind lr, $3  }
0x3a: {  	_ = 	snop  }
0x3b: {  	_ = 	snop  }
0x3c: {  	p2 =	seq.s32 s10, $0x1;
	s10 =	sld [smem:$0x3FB7]  }
0x3d: {  	_ =	shalt  }
0x3e: {  	_ =	shalt  }
0x3f: {  	_ =	shalt  }
0x40: {  	_ =	shalt  }
0x41: {  	_ =	shalt  }
0x42: {  	_ =	shalt  }
0x43: {  	_ =	shalt  }
0x44: {  	_ =	shalt  }
0x45: {  	_ =	shalt  }
0x46: {  	_ =	shalt  }
0x47: {  	_ =	shalt  }
0x48: {  	_ =	shalt  }
0x49: {  	_ =	shalt  }
0x4a: {  	_ =	shalt  }
0x4b: {  	_ =	shalt  }
0x4c: {  	_ =	shalt  }
0x4d: {  	_ =	shalt  }
0x4e: {  	_ =	shalt  }
0x4f: {  	_ =	shalt  }
0x50: {  	_ =	shalt  }
0x51: {  	_ =	shalt  }
0x52: {  	_ =	shalt  }
0x53: {  	_ =	shalt  }
0x54: {  	_ =	shalt  }
0x55: {  	_ =	shalt  }
0x56: {  	_ =	shalt  }
0x57: {  	_ =	shalt  }
0x58: {  	_ =	shalt  }
0x59: {  	_ =	shalt  }
0x5a: {  	_ =	shalt  }
0x5b: {  	_ =	shalt  }
0x5c: {  	_ =	shalt  }
0x5d: {  	_ =	shalt  }
0x5e: {  	_ =	shalt  }
0x5f: {  	_ =	shalt  }
0x60: {  	_ =	shalt  }
0x61: {  	_ =	shalt  }
0x62: {  	_ =	shalt  }
0x63: {  	_ =	shalt  }
0x64: {  	_ =	shalt  }
0x65: {  	_ =	shalt  }
0x66: {  	_ =	shalt  }
0x67: {  	_ =	shalt  }
0x68: {  	_ =	shalt  }
0x69: {  	_ =	shalt  }
0x6a: {  	_ =	shalt  }
0x6b: {  	_ =	shalt  }
0x6c: {  	_ =	shalt  }
0x6d: {  	_ =	shalt  }
0x6e: {  	_ =	shalt  }
0x6f: {  	_ =	shalt  }
0x70: {  	_ =	shalt  }
0x71: {  	_ =	shalt  }
0x72: {  	_ =	shalt  }
0x73: {  	_ =	shalt  }
0x74: {  	_ =	shalt  }
0x75: {  	_ =	shalt  }
0x76: {  	_ =	shalt  }
0x77: {  	_ =	shalt  }
0x78: {  	_ =	shalt  }
0x79: {  	_ =	shalt  }
0x7a: {  	_ =	shalt  }
0x7b: {  	_ =	shalt  }
0x7c: {  	_ =	shalt  }
0x7d: {  	_ =	shalt  }
0x7e: {  	_ =	shalt  }
0x7f: {  	_ =	shalt  }
0x80: {  	_ =	shalt  }
0x81: {  	_ =	shalt  }
0x82: {  	_ =	shalt  }
0x83: {  	_ =	shalt  }
0x84: {  	_ =	shalt  }
0x85: {  	_ =	shalt  }
0x86: {  	_ =	shalt  }
0x87: {  	_ =	shalt  }
.Lfunc_end0:
.L_simem_size_0:
called_computation.1_lowered:
.L_overlay_start_0:
0x88: {  	s2 =	sld [smem:$0x3FD9]  }
0x89: {  	s3 =	sld [smem:$0x3FFE];
	_ =	sdelay $0x1  }
0x8a: {  	s1 =	srdreg.scid  }
0x8b: {  	s0 =	sand.u32 $0x1, s1  }
0x8c: {  	s17 =	sshll.u32 s0, $0xA;
	s2 =	sadd.s32 s3, s2  }
0x8d: {  	s2 =	sadd.s32 s2, s17  }
0x8e: {  	[smem:$0x3FC3] =	sst s2  }
0x8f: {  	_ = 	snop  }
0x90: {  	s2 =	sld [smem:$0x3FD0];
	(tm) =	ssettm $0x1  }
0x91: {  	s18 =	sld [smem:$0x3FFB];
	_ =	sdelay $0x3  }
0x92: {  	_ =	strace s18  }
0x93: {  	s3 =	sld [smem:$0x3FFC];
	_ =	sdelay $0x3  }
0x94: {  	_ =	strace s3  }
0x95: {  	s3 =	sld [smem:$0x3FFD];
	_ =	sdelay $0x3  }
0x96: {  	_ =	strace s3  }
0x97: {  	_ =	strace $0x8FFFFFFF  }
0x98: {  	s19 =	sld [smem:$0x3FDB];
	_ =	sdelay $0x1  }
0x99: {  	s4 =	simm.s32 $_scs_section_size  }
0x9a: {  	s5 =	simm.s32 $_size__tile_overlayer_lowered;
	s6 =	simm.s32 $_tile_overlayer_lowered  }
0x9b: {  	s22 =	simm.s32 $0x1BFF;
	s21 =	sshll.u32 s6, $0x1;
	s3 =	sadd.s32 s4, s19  }
0x9c: {  	s7 =	simm.s32 $0x0;
	s20 =	sshll.u32 s5, $0x1;
	s5 =	sadd.s32 s21, s3  }
0x9d: {  	[timem:s7], [sflag:s22] =	dma.local [hbm:s5], s20  }
0x9e: {  	_ =	swait.ge [sflag:s22], s20  }
0x9f: {  	s4 =	ssub.s32 $0x0, s20;
	[sflag:s22] =	ssyncset.done $0x0  }
0xa0: {  	[sflag:s22] =	ssyncadd.s32 s4;
	_ =	sdelay $0x1  }
0xa1: {  	s23 =	simm.s32 $0x1B8B  }
0xa2: {  	_ =	swait.ge [sflag:s23], $0x1  }
0xa3: {  	[sflag:s23] =	ssyncset.done $0x0  }
0xa4: {  	s25 =	simm.s32 $0x1B8E;
	s24 =	sld [smem:$0x3FFE];
	[sflag:s23] =	ssyncadd.s32 $0xFFFFFFFF  }
0xa5: {  	s26 =	simm.s32 $execute0_lowered;
	[smem:$0x3FD2] =	sst s25  }
0xa6: {  	s5 =	sshll.u32 s26, $0x1;
	_ =	strace $0x80000046;
	[dreg:$0x1] =	wrdreg $0xFFFFFFFF  }
0xa7: {  	s28 =	simm.s32 $_size_execute0_lowered;
	s3 =	sadd.s32 s3, s5;
	[dreg:$0x0] =	wrdreg $0x0  }
0xa8: {  	s5 =	sshll.u32 s28, $0x1;
	[dreg:$0x2] =	wrdreg s3  }
0xa9: {  	[dreg:$0x3] =	wrdreg s5  }
0xaa: {  	[dreg:$0x4] =	wrdreg $0xC0  }
0xab: {  	_ =	task [dreg:s7], $0x5FFFF  }
0xac: {  	[dreg:$0x1] =	wrdreg $0xFFFFFFFF  }
0xad: {  	[dreg:$0x0] =	wrdreg $0x60  }
0xae: {  	[dreg:$0x2] =	wrdreg s2  }
0xaf: {  	[dreg:$0x3] =	wrdreg s24  }
0xb0: {  	[dreg:$0x4] =	wrdreg $0x9  }
0xb1: {  	_ =	task.clear_ibuf [dreg:s7], $0x5FFFF;
	_ =	strace $0x90000046  }
0xb2: {  	s29 =	simm.s32 $0x9;
	_ =	strace $0x80000048  }
0xb3: {  	_ =	swait.ge [sflag:s29], $0x1  }
0xb4: {  	[sflag:s29] =	ssyncadd.s32 $0xFFFFFFFF  }
0xb5: {  	_ =	strace $0x90000048  }
0xb6: {  	_ =	sfence  }
0xb7: {  	s30 =	sld [smem:$0x0];
	_ =	sdelay $0x2  }
0xb8: {  	s31 =	sshll.u32 s1, $0xD;
	s1 =	sshrl.u32 s1, $0x2  }
0xb9: {  	s3 =	sand.u32 $0x4000, s31;
	s1 =	sadd.s32 s1, s30  }
0xba: {  	s0 =	sor.u32 s3, s0;
	s1 =	sshll.u32 s1, $0x11  }
0xbb: {  	s0 =	sor.u32 s1, s0  }
0xbc: {  	s0 =	sadd.s32 $0x8F2B, s0  }
0xbd: {  	[sflag:s0] =	ssyncadd.remote.s32 $0x1  }
0xbe: {  	_ =	sfence.sel $0xFFFF  }
0xbf: {  	[dreg:$0x0] =	wrdreg $0xFFFFFFFF;
	(pc) =	sbr.abs _section_cstart, $3  }
0xc0: {  	[dreg:$0x1] =	wrdreg $0xFFFFFFFF  }
0xc1: {  	_ =	task.clear_ibuf [dreg:s7], $0x2FFFF;
	_ =	strace $0x9FFFFFFF  }
0xc2: {  	(tm) =	ssettm $0x7FFFFFFF  }
0xc3: {  	_ =	shalt  }
tec
execute0_lowered:
.L_overlay_start_1:
0x0: {  	(tag) =	ssettag $0x1  }
0x1: {  	s0 =	rddreg [dreg:$0x0]  }
0x2: {  	s1 =	rddreg [dreg:$0x1]  }
0x3: {  	s3 =	srdreg.scid;
	s10 =	stileid.u32;
	s2 =	simm.s32 $0x0  }
0x4: {  	s12 =	simm.s32 $0x5;
	s13 =	simm.s32 $0x80;
	s14 =	simm.s32 $0x1900  }
0x5: {  	s15 =	simm.s32 $0x5900;
	s16 =	simm.s32 $0x40;
	s18 =	simm.s32 $0x9900  }
0x6: {  	s20 =	simm.s32 $0xB900;
	s22 =	simm.s32 $0xF900;
	s24 =	simm.s32 $0x13900  }
0x7: {  	s25 =	simm.s32 $0x1;
	s28 =	simm.s32 $0x3;
	s9 =	smul.u32 $0x3200, s10  }
0x8: {  	s8 =	sand.u32 $0x1, s3;
	s26 =	sshll.u32 s10, $0x1;
	s10 =	smul.u32 $0x32000, s10  }
0x9: {  	[smem:$0x7FF] =	sst s2;
	s3 =	sadd.s32 $0x1000, s1;
	s31 =	smul.u32 $0x1900, s8  }
0xa: {  	s1 =	sadd.s32 $0xF43400, s1;
	s4 =	sor.u32 s8, s26;
	s11 =	smul.u32 $0x19000, s8  }
0xb: {  	s17 =	simm.s32 $0x0;
	_ =	strace $0x80000047;
	s5 =	smul.u32 $0x1900, s4  }
0xc: {  	s6 =	ssub.s32 $0x2, s8;
	s26 =	simm.s32 $0x2;
	s7 =	smul.u32 $0x19000, s4  }
0xd: {  	s30 =	sshrl.u32 s6, $0x1;
	s10 =	sadd.s32 s10, s1;
	s5 =	sshrl.u32 s5, $0x3  }
0xe: {  	s6 =	ssub.s32 s6, s30;
	s10 =	sadd.s32 s11, s10;
	s4 =	sadd.s32 s0, s5  }
0xf: {  	s5 =	smax.u32 s6, $0x1;
	s6 =	sadd.s32 s1, s7;
	s0 =	sadd.s32 s31, s9  }
0x10: {  	s10 =	sadd.s32 $0x2800, s10;
	s7 =	sadd.s32 $0x1400, s6;
	s0 =	sshll.u32 s0, $0x4  }
0x11: {  	s8 =	sadd.s32 $0x16800, s6;
	s9 =	sadd.s32 $0x17C00, s6;
	s0 =	sadd.s32 s1, s0  }
0x12: {  	s1 =	simm.s32 $0x17C0;
	s29 =	sadd.s32 $0x3C00, s0;
	s0 =	simm.s32 $0x4  }
.LBB2_1:
0x13: {  	[tilespmem:s2], [sflag:$0x5] =	stream.linear.gather [hbm4b:s4+s2], $0x1900, $0x38;
	[tilespmem:$0x15900] =	vst v63  }
0x14: {  	_ =	swait.ge [sflag:s12], $0x1900  }
0x15: {  	[sflag:s12] =	ssyncset.done $0x0  }
0x16: {  	[sflag:s12] =	ssyncadd.s32 $0xFFFFE700  }
0x17: {  	[tilespmem:s14], [sflag:$0x1] =	stream.indirect.gather [hbm4b:s3+s13], $0x80, s2, s13, $0xb8;
	[tilespmem:$0x15900] =	vst v63  }
0x18: {  	_ = 	snop  }
0x19: {  	[tilespmem:s15], [sflag:$0x1] =	stream.indirect.gather [hbm4b:s3+s13], $0x80, s13, s13, $0xb8;
	[tilespmem:$0x15900] =	vst v63  }
0x1a: {  	s11 =	simm.s32 $0x100  }
0x1b: {  	[tilespmem:s18], [sflag:$0x1] =	stream.indirect.gather [hbm4b:s3+s16], $0x80, s11, s16, $0xb8;
	[tilespmem:$0x15900] =	vst v63  }
0x1c: {  	s30 =	simm.s32 $0x140  }
0x1d: {  	[tilespmem:s20], [sflag:$0x2] =	stream.indirect.gather [hbm4b:s3+s13], $0x80, s30, s13, $0xb8;
	[tilespmem:$0x15900] =	vst v63  }
0x1e: {  	s31 =	simm.s32 $0x1C0  }
0x1f: {  	[tilespmem:s22], [sflag:$0x2] =	stream.indirect.gather [hbm4b:s3+s13], $0x80, s31, s13, $0xb8;
	[tilespmem:$0x15900] =	vst v63  }
0x20: {  	s19 =	simm.s32 $0x240  }
0x21: {  	[tilespmem:s24], [sflag:$0x2] =	stream.indirect.gather [hbm4b:s3+s16], $0x80, s19, s16, $0xb8;
	[tilespmem:$0x15900] =	vst v63  }
0x22: {  	_ =	swait.ge [sflag:s25], $0x4000  }
0x23: {  	[sflag:s25] =	ssyncset.done $0x0  }
0x24: {  	[sflag:s25] =	ssyncadd.s32 $0xFFFFC000  }
0x25: {  	_ =	swait.ge [sflag:s25], $0x4000  }
0x26: {  	[sflag:s25] =	ssyncset.done $0x0  }
0x27: {  	[sflag:s25] =	ssyncadd.s32 $0xFFFFC000  }
0x28: {  	_ =	swait.ge [sflag:s25], $0x2000  }
0x29: {  	[sflag:s25] =	ssyncset.done $0x0  }
0x2a: {  	[sflag:s25] =	ssyncadd.s32 $0xFFFFE000  }
0x2b: {  	[hbm4b:s6+s2] =	stream.linear.scatter [tilespmem:s14], [sflag:$0x3], $0xA000, $0x38;
	[tilespmem:$0x15900] =	vst v63  }
0x2c: {  	_ =	swait.ge [sflag:s26], $0x4000  }
0x2d: {  	[sflag:s26] =	ssyncset.done $0x0  }
0x2e: {  	[sflag:s26] =	ssyncadd.s32 $0xFFFFC000  }
0x2f: {  	_ =	swait.ge [sflag:s26], $0x4000  }
0x30: {  	[sflag:s26] =	ssyncset.done $0x0  }
0x31: {  	[sflag:s26] =	ssyncadd.s32 $0xFFFFC000  }
0x32: {  	_ =	swait.ge [sflag:s26], $0x2000  }
0x33: {  	[sflag:s26] =	ssyncset.done $0x0  }
0x34: {  	[sflag:s26] =	ssyncadd.s32 $0xFFFFE000  }
0x35: {  	_ =	swait.ge [sflag:s28], $0xA000  }
0x36: {  	[sflag:s28] =	ssyncset.done $0x0  }
0x37: {  	s21 =	simm.s32 $0x280;
	[sflag:s28] =	ssyncadd.s32 $0xFFFF6000  }
0x38: {  	[tilespmem:s14], [sflag:$0x1] =	stream.indirect.gather [hbm4b:s3+s13], $0x80, s21, s13, $0xb8;
	[tilespmem:$0x15900] =	vst v63  }
0x39: {  	s23 =	simm.s32 $0x300  }
0x3a: {  	[tilespmem:s15], [sflag:$0x1] =	stream.indirect.gather [hbm4b:s3+s13], $0x80, s23, s13, $0xb8;
	[tilespmem:$0x15900] =	vst v63  }
0x3b: {  	s30 =	simm.s32 $0x380  }
0x3c: {  	[tilespmem:s18], [sflag:$0x1] =	stream.indirect.gather [hbm4b:s3+s16], $0x80, s30, s16, $0xb8;
	[tilespmem:$0x15900] =	vst v63  }
0x3d: {  	_ = 	snop  }
0x3e: {  	[hbm4b:s7+s2] =	stream.linear.scatter [tilespmem:s20], [sflag:$0x4], $0xA000, $0x38;
	[tilespmem:$0x15900] =	vst v63  }
0x3f: {  	_ =	swait.ge [sflag:s0], $0xA000  }
0x40: {  	[sflag:s0] =	ssyncset.done $0x0  }
0x41: {  	s31 =	simm.s32 $0x3C0;
	[sflag:s0] =	ssyncadd.s32 $0xFFFF6000  }
0x42: {  	[tilespmem:s20], [sflag:$0x2] =	stream.indirect.gather [hbm4b:s3+s13], $0x80, s31, s13, $0xb8;
	[tilespmem:$0x15900] =	vst v63  }
0x43: {  	s19 =	simm.s32 $0x440  }
0x44: {  	[tilespmem:s22], [sflag:$0x2] =	stream.indirect.gather [hbm4b:s3+s13], $0x80, s19, s13, $0xb8;
	[tilespmem:$0x15900] =	vst v63  }
0x45: {  	s21 =	simm.s32 $0x4C0  }
0x46: {  	[tilespmem:s24], [sflag:$0x2] =	stream.indirect.gather [hbm4b:s3+s16], $0x80, s21, s16, $0xb8;
	[tilespmem:$0x15900] =	vst v63  }
0x47: {  	_ =	swait.ge [sflag:s25], $0x4000  }
0x48: {  	[sflag:s25] =	ssyncset.done $0x0  }
0x49: {  	[sflag:s25] =	ssyncadd.s32 $0xFFFFC000  }
0x4a: {  	_ =	swait.ge [sflag:s25], $0x4000  }
0x4b: {  	[sflag:s25] =	ssyncset.done $0x0  }
0x4c: {  	[sflag:s25] =	ssyncadd.s32 $0xFFFFC000  }
0x4d: {  	_ =	swait.ge [sflag:s25], $0x2000  }
0x4e: {  	[sflag:s25] =	ssyncset.done $0x0  }
0x4f: {  	[sflag:s25] =	ssyncadd.s32 $0xFFFFE000  }
0x50: {  	[hbm4b:s10+s2] =	stream.linear.scatter [tilespmem:s14], [sflag:$0x3], $0xA000, $0x38;
	[tilespmem:$0x15900] =	vst v63  }
0x51: {  	_ =	swait.ge [sflag:s26], $0x4000  }
0x52: {  	[sflag:s26] =	ssyncset.done $0x0  }
0x53: {  	[sflag:s26] =	ssyncadd.s32 $0xFFFFC000  }
0x54: {  	_ =	swait.ge [sflag:s26], $0x4000  }
0x55: {  	[sflag:s26] =	ssyncset.done $0x0  }
0x56: {  	[sflag:s26] =	ssyncadd.s32 $0xFFFFC000  }
0x57: {  	_ =	swait.ge [sflag:s26], $0x2000  }
0x58: {  	[sflag:s26] =	ssyncset.done $0x0  }
0x59: {  	[sflag:s26] =	ssyncadd.s32 $0xFFFFE000  }
0x5a: {  	_ =	swait.ge [sflag:s28], $0xA000  }
0x5b: {  	[sflag:s28] =	ssyncset.done $0x0  }
0x5c: {  	s23 =	simm.s32 $0x500;
	[sflag:s28] =	ssyncadd.s32 $0xFFFF6000  }
0x5d: {  	[tilespmem:s14], [sflag:$0x1] =	stream.indirect.gather [hbm4b:s3+s13], $0x80, s23, s13, $0xb8;
	[tilespmem:$0x15900] =	vst v63  }
0x5e: {  	s11 =	smov.u32 s29;
	s30 =	simm.s32 $0x580;
	s31 =	simm.s32 $0x600  }
0x5f: {  	[tilespmem:s15], [sflag:$0x1] =	stream.indirect.gather [hbm4b:s3+s13], $0x80, s30, s13, $0xb8;
	[tilespmem:$0x15900] =	vst v63  }
0x60: {  	s19 =	simm.s32 $0xA00;
	s21 =	sadd.s32 $0x2800, s10;
	s23 =	sadd.s32 $0x2800, s29  }
0x61: {  	[tilespmem:s18], [sflag:$0x1] =	stream.indirect.gather [hbm4b:s3+s16], $0x80, s31, s16, $0xb8;
	[tilespmem:$0x15900] =	vst v63  }
.LBB2_2:
0x62: {  	[hbm4b:s11+s2] =	stream.linear.scatter [tilespmem:s20], [sflag:$0x4], $0xA000, $0x38;
	[tilespmem:$0x15900] =	vst v63  }
0x63: {  	s11 =	smov.u32 s19;
	s19 =	sadd.s32 $0xA00, s19;
	_ =	swait.ge [sflag:s0], $0xA000  }
0x64: {  	s30 =	sshra.s32 s11, $0x2;
	p0 =	sne.s32 s19, $0x5000;
	[sflag:s0] =	ssyncset.done $0x0  }
0x65: {  	s11 =	smov.u32 s23;
	s31 =	sadd.s32 $0x3C0, s30;
	[sflag:s0] =	ssyncadd.s32 $0xFFFF6000  }
0x66: {  	[tilespmem:s20], [sflag:$0x2] =	stream.indirect.gather [hbm4b:s3+s13], $0x80, s31, s13, $0xb8;
	[tilespmem:$0x15900] =	vst v63  }
0x67: {  	s31 =	sadd.s32 $0x440, s30  }
0x68: {  	[tilespmem:s22], [sflag:$0x2] =	stream.indirect.gather [hbm4b:s3+s13], $0x80, s31, s13, $0xb8;
	[tilespmem:$0x15900] =	vst v63  }
0x69: {  	s31 =	sadd.s32 $0x4C0, s30  }
0x6a: {  	[tilespmem:s24], [sflag:$0x2] =	stream.indirect.gather [hbm4b:s3+s16], $0x80, s31, s16, $0xb8;
	[tilespmem:$0x15900] =	vst v63  }
0x6b: {  	_ =	swait.ge [sflag:s25], $0x4000  }
0x6c: {  	[sflag:s25] =	ssyncset.done $0x0  }
0x6d: {  	[sflag:s25] =	ssyncadd.s32 $0xFFFFC000  }
0x6e: {  	_ =	swait.ge [sflag:s25], $0x4000  }
0x6f: {  	[sflag:s25] =	ssyncset.done $0x0  }
0x70: {  	[sflag:s25] =	ssyncadd.s32 $0xFFFFC000  }
0x71: {  	_ =	swait.ge [sflag:s25], $0x2000  }
0x72: {  	[sflag:s25] =	ssyncset.done $0x0  }
0x73: {  	[sflag:s25] =	ssyncadd.s32 $0xFFFFE000  }
0x74: {  	[hbm4b:s21+s2] =	stream.linear.scatter [tilespmem:s14], [sflag:$0x3], $0xA000, $0x38;
	[tilespmem:$0x15900] =	vst v63  }
0x75: {  	_ =	swait.ge [sflag:s26], $0x4000  }
0x76: {  	[sflag:s26] =	ssyncset.done $0x0  }
0x77: {  	[sflag:s26] =	ssyncadd.s32 $0xFFFFC000  }
0x78: {  	_ =	swait.ge [sflag:s26], $0x4000  }
0x79: {  	[sflag:s26] =	ssyncset.done $0x0  }
0x7a: {  	[sflag:s26] =	ssyncadd.s32 $0xFFFFC000  }
0x7b: {  	_ =	swait.ge [sflag:s26], $0x2000  }
0x7c: {  	[sflag:s26] =	ssyncset.done $0x0  }
0x7d: {  	[sflag:s26] =	ssyncadd.s32 $0xFFFFE000  }
0x7e: {  	_ =	swait.ge [sflag:s28], $0xA000  }
0x7f: {  	[sflag:s28] =	ssyncset.done $0x0  }
0x80: {  	s31 =	sadd.s32 $0x500, s30;
	[sflag:s28] =	ssyncadd.s32 $0xFFFF6000  }
0x81: {  	[tilespmem:s14], [sflag:$0x1] =	stream.indirect.gather [hbm4b:s3+s13], $0x80, s31, s13, $0xb8;
	[tilespmem:$0x15900] =	vst v63  }
.Ltmp0:
0x82: {  	s31 =	sadd.s32 $0x580, s30;
	(pc) =	sbr.rel @p0 .LBB2_2-.Ltmp0, $4  }
0x83: {  	[tilespmem:s15], [sflag:$0x1] =	stream.indirect.gather [hbm4b:s3+s13], $0x80, s31, s13, $0xb8;
	[tilespmem:$0x15900] =	vst v63  }
0x84: {  	s30 =	sadd.s32 $0x600, s30  }
0x85: {  	[tilespmem:s18], [sflag:$0x1] =	stream.indirect.gather [hbm4b:s3+s16], $0x80, s30, s16, $0xb8;
	[tilespmem:$0x15900] =	vst v63  }
0x86: {  	s23 =	sadd.s32 $0x2800, s23;
	s21 =	sadd.s32 $0x2800, s21  }
0x87: {  	[hbm4b:s11+s2] =	stream.linear.scatter [tilespmem:s20], [sflag:$0x4], $0xA000, $0x38;
	[tilespmem:$0x15900] =	vst v63  }
0x88: {  	_ =	swait.ge [sflag:s0], $0xA000  }
0x89: {  	[sflag:s0] =	ssyncset.done $0x0  }
0x8a: {  	s31 =	sshra.s32 s19, $0x2;
	[sflag:s0] =	ssyncadd.s32 $0xFFFF6000  }
0x8b: {  	[tilespmem:s20], [sflag:$0x2] =	stream.indirect.gather [hbm4b:s3+s13], $0x80, s1, s13, $0xb8;
	[tilespmem:$0x15900] =	vst v63  }
0x8c: {  	s19 =	sadd.s32 $0x440, s31  }
0x8d: {  	[tilespmem:s22], [sflag:$0x2] =	stream.indirect.gather [hbm4b:s3+s13], $0x80, s19, s13, $0xb8;
	[tilespmem:$0x15900] =	vst v63  }
0x8e: {  	s11 =	sadd.s32 $0x4C0, s31  }
0x8f: {  	[tilespmem:s24], [sflag:$0x2] =	stream.indirect.gather [hbm4b:s3+s16], $0x80, s11, s16, $0xb8;
	[tilespmem:$0x15900] =	vst v63  }
0x90: {  	_ =	swait.ge [sflag:s25], $0x4000  }
0x91: {  	[sflag:s25] =	ssyncset.done $0x0  }
0x92: {  	[sflag:s25] =	ssyncadd.s32 $0xFFFFC000  }
0x93: {  	_ =	swait.ge [sflag:s25], $0x4000  }
0x94: {  	[sflag:s25] =	ssyncset.done $0x0  }
0x95: {  	[sflag:s25] =	ssyncadd.s32 $0xFFFFC000  }
0x96: {  	_ =	swait.ge [sflag:s25], $0x2000  }
0x97: {  	[sflag:s25] =	ssyncset.done $0x0  }
0x98: {  	[sflag:s25] =	ssyncadd.s32 $0xFFFFE000  }
0x99: {  	[hbm4b:s8+s2] =	stream.linear.scatter [tilespmem:s14], [sflag:$0x3], $0xA000, $0x38;
	[tilespmem:$0x15900] =	vst v63  }
0x9a: {  	_ =	swait.ge [sflag:s26], $0x4000  }
0x9b: {  	[sflag:s26] =	ssyncset.done $0x0  }
0x9c: {  	[sflag:s26] =	ssyncadd.s32 $0xFFFFC000  }
0x9d: {  	_ =	swait.ge [sflag:s26], $0x4000  }
0x9e: {  	[sflag:s26] =	ssyncset.done $0x0  }
0x9f: {  	[sflag:s26] =	ssyncadd.s32 $0xFFFFC000  }
0xa0: {  	_ =	swait.ge [sflag:s26], $0x2000  }
0xa1: {  	[sflag:s26] =	ssyncset.done $0x0  }
0xa2: {  	[sflag:s26] =	ssyncadd.s32 $0xFFFFE000  }
0xa3: {  	s17 =	sadd.s32 $0x1, s17;
	_ =	swait.ge [sflag:s28], $0xA000  }
0xa4: {  	p0 =	sne.s32 s17, s5;
	[sflag:s28] =	ssyncset.done $0x0  }
.Ltmp1:
0xa5: {  	[sflag:s28] =	ssyncadd.s32 $0xFFFF6000;
	(pc) =	sbr.rel @p0 .LBB2_1-.Ltmp1, $4  }
0xa6: {  	[hbm4b:s9+s2] =	stream.linear.scatter [tilespmem:s20], [sflag:$0x4], $0xA000, $0x38;
	[tilespmem:$0x15900] =	vst v63  }
0xa7: {  	_ =	swait.ge [sflag:s0], $0xA000  }
0xa8: {  	[sflag:s0] =	ssyncset.done $0x0  }
0xa9: {  	[sflag:s0] =	ssyncadd.s32 $0xFFFF6000  }
0xaa: {  	_ =	sfence.sel $0x180000  }
0xab: {  	[bflag:$0x0] =	sbarrier.arrive $0xFFFF  }
0xac: {  	_ =	strace $0x90000047  }
0xad: {  	s0 =	stileid.u32;
	[bflag:$0x2] =	sbarrier.arrive $0xFFFF  }
0xae: {  	p0 =	sne.s32 s0, $0x0;
	s0 =	rddreg [dreg:$0x2]  }
0xaf: {  	s0 =	sadd.s32 @!p0 $0x100000, s0  }
0xb0: {  	[sflag:s0] =	ssyncadd.tile.s32 @!p0 $0x1;
	_ =	shalt  }
.Lfunc_end2:
_tile_overlayer_lowered:
.L_overlay_start_2:
0xb1: {  	(tag) =	ssettag $0x2  }
0xb2: {  	s0 =	rddreg [dreg:$0x0];
	s2 =	stileid.u32  }
0xb3: {  	s1 =	rddreg [dreg:$0x1];
	p0 =	sne.s32 s2, $0x0  }
0xb4: {  	s3 =	rddreg [dreg:$0x2];
	[bflag:$0x3] =	sbarrier.arrive $0xFFFF;
	s2 =	simm.s32 @!p0 $0x1C05  }
0xb5: {  	[timem:s3], [sflag:s2] =	dma.local @!p0 [hbm:s0], s1  }
0xb6: {  	s0 =	simm.s32 @!p0 $0x5  }
0xb7: {  	_ =	swait.ge @!p0 [sflag:s0], s1  }
0xb8: {  	s1 =	ssub.s32 @!p0 $0x0, s1;
	[sflag:s0] =	ssyncset.done @!p0 $0x0  }
0xb9: {  	[sflag:s0] =	ssyncadd.s32 @!p0 s1  }
0xba: {  	[bflag:$0x3] =	sbarrier.arrive $0xFFFF  }
0xbb: {  	_ =	shalt  }

// kernel: sparse-core-data-format-call.cloned.1.call-start
scs
called_computation_lowered:
.L_overlay_start_0:
0x0: {  	s2 =	sld [smem:$0x3FD9]  }
0x1: {  	s3 =	sld [smem:$0x3FFE];
	_ =	sdelay $0x1  }
0x2: {  	s1 =	srdreg.scid  }
0x3: {  	s0 =	sand.u32 $0x1, s1  }
0x4: {  	s18 =	sshll.u32 s0, $0xA;
	s2 =	sadd.s32 s3, s2  }
0x5: {  	s2 =	sadd.s32 s2, s18  }
0x6: {  	[smem:$0x3FC3] =	sst s2  }
0x7: {  	_ = 	snop  }
0x8: {  	s2 =	sld [smem:$0x3FD0];
	(tm) =	ssettm $0x1  }
0x9: {  	s19 =	sld [smem:$0x3FFB];
	_ =	sdelay $0x3  }
0xa: {  	_ =	strace s19  }
0xb: {  	s3 =	sld [smem:$0x3FFC];
	_ =	sdelay $0x3  }
0xc: {  	_ =	strace s3  }
0xd: {  	s3 =	sld [smem:$0x3FFD];
	_ =	sdelay $0x3  }
0xe: {  	_ =	strace s3  }
0xf: {  	_ =	strace $0x8FFFFFFF  }
0x10: {  	s20 =	sld [smem:$0x3FDB];
	_ =	sdelay $0x1  }
0x11: {  	s4 =	simm.s32 $_scs_section_size  }
0x12: {  	s5 =	simm.s32 $_size__tile_overlayer_lowered;
	s6 =	simm.s32 $_tile_overlayer_lowered  }
0x13: {  	s23 =	simm.s32 $0x1BFF;
	s22 =	sshll.u32 s6, $0x1;
	s3 =	sadd.s32 s4, s20  }
0x14: {  	s7 =	simm.s32 $0x0;
	s21 =	sshll.u32 s5, $0x1;
	s5 =	sadd.s32 s22, s3  }
0x15: {  	[timem:s7], [sflag:s23] =	dma.local [hbm:s5], s21  }
0x16: {  	_ =	swait.ge [sflag:s23], s21  }
0x17: {  	s4 =	ssub.s32 $0x0, s21;
	[sflag:s23] =	ssyncset.done $0x0  }
0x18: {  	[sflag:s23] =	ssyncadd.s32 s4;
	_ =	sdelay $0x1  }
0x19: {  	s24 =	simm.s32 $0x1B8B  }
0x1a: {  	_ =	swait.ge [sflag:s24], $0x1  }
0x1b: {  	[sflag:s24] =	ssyncset.done $0x0  }
0x1c: {  	s26 =	simm.s32 $0x1B8E;
	s25 =	sld [smem:$0x3FFE];
	[sflag:s24] =	ssyncadd.s32 $0xFFFFFFFF  }
0x1d: {  	s27 =	simm.s32 $execute0_lowered;
	[smem:$0x3FD2] =	sst s26  }
0x1e: {  	s5 =	sshll.u32 s27, $0x1;
	_ =	strace $0x80000049;
	[dreg:$0x1] =	wrdreg $0xFFFFFFFF  }
0x1f: {  	s28 =	simm.s32 $_size_execute0_lowered;
	s3 =	sadd.s32 s3, s5;
	[dreg:$0x0] =	wrdreg $0x0  }
0x20: {  	s5 =	sshll.u32 s28, $0x1;
	[dreg:$0x2] =	wrdreg s3  }
0x21: {  	[dreg:$0x3] =	wrdreg s5  }
0x22: {  	[dreg:$0x4] =	wrdreg $0xC0  }
0x23: {  	_ =	task [dreg:s7], $0x5FFFF  }
0x24: {  	[dreg:$0x1] =	wrdreg $0xFFFFFFFF  }
0x25: {  	[dreg:$0x0] =	wrdreg $0x60  }
0x26: {  	[dreg:$0x2] =	wrdreg s25  }
0x27: {  	[dreg:$0x3] =	wrdreg s2  }
0x28: {  	[dreg:$0x4] =	wrdreg $0x9  }
0x29: {  	_ =	task.clear_ibuf [dreg:s7], $0x5FFFF;
	_ =	strace $0x90000049  }
0x2a: {  	s29 =	simm.s32 $0x9;
	_ =	strace $0x8000004B  }
0x2b: {  	_ =	swait.ge [sflag:s29], $0x1  }
0x2c: {  	[sflag:s29] =	ssyncadd.s32 $0xFFFFFFFF  }
0x2d: {  	_ =	strace $0x9000004B  }
0x2e: {  	_ =	sfence  }
0x2f: {  	s30 =	sld [smem:$0x0];
	_ =	sdelay $0x2  }
0x30: {  	s31 =	sshll.u32 s1, $0xD;
	s1 =	sshrl.u32 s1, $0x2  }
0x31: {  	s3 =	sand.u32 $0x4000, s31;
	s1 =	sadd.s32 s1, s30  }
0x32: {  	s0 =	sor.u32 s3, s0;
	s1 =	sshll.u32 s1, $0x11  }
0x33: {  	s0 =	sor.u32 s1, s0  }
0x34: {  	s0 =	sadd.s32 $0x8F2B, s0  }
0x35: {  	[sflag:s0] =	ssyncadd.remote.s32 $0x1  }
0x36: {  	_ =	sfence.sel $0xFFFF  }
0x37: {  	[dreg:$0x0] =	wrdreg $0xFFFFFFFF;
	(pc) =	sbr.abs _section_cstart, $3  }
0x38: {  	[dreg:$0x1] =	wrdreg $0xFFFFFFFF  }
0x39: {  	_ =	task.clear_ibuf [dreg:s7], $0x2FFFF;
	_ =	strace $0x9FFFFFFF  }
0x3a: {  	(tm) =	ssettm $0x7FFFFFFF  }
0x3b: {  	_ =	shalt  }
tec
execute0_lowered:
.L_overlay_start_1:
0x0: {  	(tag) =	ssettag $0x1  }
0x1: {  	s0 =	stileid.u32;
	s6 =	rddreg [dreg:$0x0]  }
0x2: {  	s2 =	rddreg [dreg:$0x1];
	s5 =	srdreg.scid  }
0x3: {  	s31 =	simm.s32 $0x2;
	s13 =	simm.s32 $0x0;
	s1 =	sshll.u32 s0, $0x7  }
0x4: {  	s14 =	simm.s32 $0x0;
	s12 =	simm.s32 $0x0;
	s3 =	sand.u32 $0x380, s1  }
0x5: {  	s5 =	sshll.u32 s5, $0x4;
	s6 =	sadd.s32 $0x1000, s6;
	s4 =	ssub.s32 $0x400, s3  }
0x6: {  	s1 =	rddreg [dreg:$0x2];
	_ =	strace $0x8000004A;
	s7 =	sand.u32 $0x380, s4  }
0x7: {  	s5 =	sand.u32 $0x10, s5;
	p0 =	sne.s32 s7, $0x0;
	s7 =	simm.s32 $0x1  }
.Ltmp0:
0x8: {  	s8 =	sshrl.u32 s4, $0xA;
	s7 =	simm.s32 @!p0 $0x0;
	(pc) =	sbr.rel .LBB1_1-.Ltmp0, $4  }
0x9: {  	s9 =	sor.u32 s0, s5;
	s4 =	simm.s32 $0x1;
	s30 =	sadd.s32 s7, s8  }
0xa: {  	s11 =	smov.u32 s3;
	[sflag:s4] =	ssyncpa.u1 $0x0;
	s5 =	smul.u32 $0x32, s30  }
0xb: {  	[sflag:s31] =	ssyncpa.u1 $0x0;
	p0 =	por $0x0, $0x0;
	s7 =	sshrl.u32 s9, $0x3  }
0xc: {  	s9 =	simm.s32 $0x2000;
	s10 =	smov.u32 s7;
	s8 =	sor.u32 $0x1, s5  }
.LBB1_4:
0xd: {  	s17 =	sand.u32 $0x1F80, s14;
	s13 =	sshll.u32 s13, $0xD  }
0xe: {  	[tilespmem:s16+$0x810 ss:$0x81] =	vst.msk $0xffff, v2;
	s18 =	sshrl.u32 s14, $0x3;
	s31 =	sand.u32 $0x7, s14;
	s17 =	sadd.s32 s2, s17  }
0xf: {  	[tilespmem:s16+$0x1020 ss:$0x81] =	vst.msk $0xffff, v0;
	s18 =	sand.u32 $0xF, s18;
	s14 =	sshll.u32 s31, $0x12;
	s13 =	sadd.s32 s13, s17  }
0x10: {  	[tilespmem:s16+$0x0 ss:$0x81] =	vst.msk $0xffff, v1;
	s14 =	sor.u32 $0x400, s14;
	s13 =	sadd.s32 s18, s13  }
0x11: {  	[hbm4b:s13+s14] =	stream.strided.scatter [tilespmem:s15], [sflag:$0x2], $0x2000, s9, s14, $0x20;
	[tilespmem:$0x8080] =	vst v63  }
.LBB1_5:
0x12: {  	s15 =	sadd.s32 $0x4, s10  }
0x13: {  	s13 =	sadd.s32 $0x400, s11;
	s17 =	smov.u32 s11;
	p2 =	sgt.s32 s15, $0xC7  }
0x14: {  	s17 =	smov.u32 @p2 s13  }
0x15: {  	s15 =	smov.u32 @p2 s7;
	p2 =	sgt.s32 s17, $0x3FF  }
0x16: {  	s17 =	smov.u32 @p2 s3;
	p2 =	sne.s32 s12, s8  }
.Ltmp1:
0x17: {  	p1 =	slt.u32 s12, $0x2;
	(pc) =	sbr.rel @!p2 .LBB1_6-.Ltmp1, $4  }
0x18: {  	s16 =	simm.s32 @!p1 $0x2  }
0x19: {  	s14 =	smov.u32 s11;
	p0 =	por !p0, !p0;
	_ =	swait.ge @!p1 [sflag:s16], $0x2000  }
0x1a: {  	s13 =	smov.u32 s10;
	[sflag:s16] =	ssyncset.done @!p1 $0x0;
	s10 =	smov.u32 s15  }
0x1b: {  	s12 =	sadd.s32 $0x1, s12;
	[sflag:s16] =	ssyncadd.s32 @!p1 $0xFFFFE000;
	s11 =	smov.u32 s17  }
.LBB1_1:
0x1c: {  	p1 =	sge.u32 s12, s5  }
0x1d: {  	s15 =	sand.u32 @!p1 $0x1FFFFFF, s10  }
0x1e: {  	s16 =	smulhi.u32 @!p1 $0x147AE15, s15;
	_ =	sdelay $0x1  }
0x1f: {  	s16 =	smul.u32 @!p1 $0xC8, s16  }
0x20: {  	s17 =	sxor.u32 @!p1 $0xFFFFFFFF, s12;
	s18 =	smul.u32 @!p1 $0xC80, s11  }
0x21: {  	s31 =	sadd.s32 $0xFFFFFFFF, s12;
	s17 =	sshll.u32 @!p1 s17, $0xD;
	s15 =	ssub.s32 @!p1 s15, s16  }
0x22: {  	s16 =	sand.u32 @!p1 $0x2000, s17;
	s17 =	sadd.s32 @!p1 s6, s18;
	s15 =	sshll.u32 @!p1 s15, $0x4  }
0x23: {  	s18 =	simm.s32 @!p1 $0x6400;
	s15 =	sadd.s32 @!p1 s15, s17;
	s17 =	simm.s32 @!p1 $0x40  }
0x24: {  	[tilespmem:s16], [sflag:$0x1] =	stream.strided.gather @!p1 [hbm4b:s15+s17], $0x2000, s18, s17, $0x38;
	[tilespmem:$0x8080] =	vst v63  }
0x25: {  	p1 =	sge.u32 s31, s5  }
.Ltmp2:
0x26: {  	_ = 	snop;
	(pc) =	sbr.rel @p1 .LBB1_5-.Ltmp2, $1  }
0x27: {  	_ =	sdelay $0x3  }
0x28: {  	s15 =	simm.s32 $0x1  }
0x29: {  	_ =	swait.ge [sflag:s4], $0x2000;
	s15 =	simm.s32 @!p0 $0x0  }
0x2a: {  	[sflag:s4] =	ssyncset.done $0x0;
	s16 =	sshll.u32 s15, $0xD  }
0x2b: {  	[sflag:s4] =	ssyncadd.s32 $0xFFFFE000;
	s19 =	sor.u32 $0x20, s16  }
0x2c: {  	s15 =	smul.u32 $0x8100, s15;
	v3 =	vld [tilespmem:s19+$0x10]  }
0x2d: {  	s30 =	sand.u32 $0x1, s12;
	v2 =	vld [tilespmem:s19+$0xFFFFFFF0]  }
0x2e: {  	s16 =	smul.u32 $0x8100, s30;
	s15 =	sshrl.u32 s15, $0x2;
	v0 =	vld [tilespmem:s19+$0x0]  }
0x2f: {  	v1 =	vld [tilespmem:s19+$0xFFFFFFE0];
	s17 =	sor.u32 $0x4000, s15  }
0x30: {  	s31 =	sshrl.u32 s16, $0x2;
	s16 =	sadd.s32 $0x0, s17  }
0x31: {  	s18 =	simm.s32 $0x4;
	s19 =	sadd.s32 $0x40, s19;
	s15 =	sor.u32 $0x4000, s31;
	[tilespmem:s16+$0x1830 ss:$0x81] =	vst.msk $0xffff, v3  }
.LBB1_3:
0x32: {  	v3 =	vld [tilespmem:s19+$0x10];
	p1 =	sne.s32 s18, $0x1FC;
	[tilespmem:s16+$0x810 ss:$0x81] =	vst.msk $0xffff, v2;
	s20 =	smov.u32 s18;
	s18 =	sadd.s32 $0x4, s18  }
.Ltmp3:
0x33: {  	v2 =	vld [tilespmem:s19+$0xFFFFFFF0];
	[tilespmem:s16+$0x1020 ss:$0x81] =	vst.msk $0xffff, v0;
	(pc) =	sbr.rel @p1 .LBB1_3-.Ltmp3, $4  }
0x34: {  	v0 =	vld [tilespmem:s19+$0x0];
	[tilespmem:s16+$0x0 ss:$0x81] =	vst.msk $0xffff, v1  }
0x35: {  	s16 =	sshra.s32 s20, $0x2;
	v1 =	vld [tilespmem:s19+$0xFFFFFFE0]  }
0x36: {  	s16 =	sadd.s32 s16, s17  }
0x37: {  	s19 =	sadd.s32 $0x40, s19;
	[tilespmem:s16+$0x1830 ss:$0x81] =	vst.msk $0xffff, v3  }
.Ltmp4:
0x38: {  	_ = 	snop;
	(pc) =	sbr.rel .LBB1_4-.Ltmp4, $1  }
0x39: {  	_ =	sdelay $0x3  }
.LBB1_6:
0x3a: {  	_ =	sfence.sel $0x180000  }
0x3b: {  	s2 =	simm.s32 $0x1;
	[bflag:$0x0] =	sbarrier.arrive $0xFFFF  }
0x3c: {  	s31 =	simm.s32 $0x2;
	[sflag:s2] =	ssyncpa.u1 $0x1  }
0x3d: {  	[sflag:s31] =	ssyncpa.u1 $0x1  }
0x3e: {  	p0 =	sne.s32 s0, $0x0;
	_ =	strace $0x9000004A  }
0x3f: {  	s0 =	sadd.s32 @!p0 $0x100000, s1;
	[bflag:$0x2] =	sbarrier.arrive $0xFFFF  }
0x40: {  	[sflag:s0] =	ssyncadd.tile.s32 @!p0 $0x1;
	_ =	shalt  }
.Lfunc_end1:
_tile_overlayer_lowered:
.L_overlay_start_2:
0x41: {  	(tag) =	ssettag $0x2  }
0x42: {  	s0 =	rddreg [dreg:$0x0];
	s2 =	stileid.u32  }
0x43: {  	s1 =	rddreg [dreg:$0x1];
	p0 =	sne.s32 s2, $0x0  }
0x44: {  	s3 =	rddreg [dreg:$0x2];
	[bflag:$0x3] =	sbarrier.arrive $0xFFFF;
	s2 =	simm.s32 @!p0 $0x1C01  }
0x45: {  	[timem:s3], [sflag:s2] =	dma.local @!p0 [hbm:s0], s1  }
0x46: {  	s0 =	simm.s32 @!p0 $0x1  }
0x47: {  	_ =	swait.ge @!p0 [sflag:s0], s1  }
0x48: {  	s1 =	ssub.s32 @!p0 $0x0, s1;
	[sflag:s0] =	ssyncset.done @!p0 $0x0  }
0x49: {  	[sflag:s0] =	ssyncadd.s32 @!p0 s1  }
0x4a: {  	[bflag:$0x3] =	sbarrier.arrive $0xFFFF  }
0x4b: {  	_ =	shalt  }

</sc_bundles>
